<compile_context>
chip_gen: v7x
topology: tpu7x:2x2x1
jax: 0.10.2.dev20260603
libtpu: 0.0.44.dev20260713+nightly
codegen_flags: <defaults>
</compile_context>

<pallas_src>
import functools

import jax
import jax.numpy as jnp
from jax import lax
from jax.experimental import pallas as pl
from jax.experimental.pallas import tpu as pltpu
from jax.experimental.pallas import tpu_sc as plsc

B_ = 1024
L_ = 200
H_ = 768
NTOK = B_ * L_
NW = 32
TOK_PW = NTOK // NW
TG = 80
NITG = TOK_PW // TG
BT = 1600
NBLK = NTOK // BT
LN_EPS_ = 1e-12


def _sc_gather(ids, word):
    mesh = plsc.VectorSubcoreMesh(core_axis_name="c", subcore_axis_name="s")

    @functools.partial(
        pl.kernel,
        mesh=mesh,
        compiler_params=pltpu.CompilerParams(needs_layout_passes=False),
        out_type=jax.ShapeDtypeStruct((NTOK, H_), jnp.float32),
        scratch_types=[
            pltpu.VMEM((2, TG, H_), jnp.float32),
            pltpu.VMEM((2, TG), jnp.int32),
            pltpu.SemaphoreType.DMA,
            pltpu.SemaphoreType.DMA,
            pltpu.SemaphoreType.DMA,
            pltpu.SemaphoreType.DMA,
        ],
    )
    def k(ids_h, word_h, out_h, rowsb, idxb, g0, g1, o0, o1):
        cid = lax.axis_index("c")
        sid = lax.axis_index("s")
        wid = sid * 2 + cid
        base = wid * TOK_PW
        gsem = (g0, g1)
        osem = (o0, o1)

        def start_gather(i, k_):
            pltpu.sync_copy(ids_h.at[pl.ds(base + i * TG, TG)], idxb.at[k_])
            pltpu.async_copy(word_h.at[idxb.at[k_]], rowsb.at[k_], gsem[k_])

        def wait_gather(k_):
            pltpu.make_async_copy(word_h.at[idxb.at[k_]], rowsb.at[k_],
                                  gsem[k_]).wait()

        def start_scatter(i, k_):
            pltpu.async_copy(rowsb.at[k_],
                             out_h.at[pl.ds(base + i * TG, TG)], osem[k_])

        def wait_scatter(k_):
            pltpu.make_async_copy(rowsb.at[k_], out_h.at[pl.ds(0, TG)],
                                  osem[k_]).wait()

        start_gather(0, 0)

        def outer(it, carry):
            i0 = it * 2
            for kb in range(2):
                i = i0 + kb
                nk = 1 - kb

                @pl.when(i + 1 < NITG)
                def _():
                    @pl.when(i >= 1)
                    def _():
                        wait_scatter(nk)
                    start_gather(i + 1, nk)

                wait_gather(kb)
                start_scatter(i, kb)
            return carry

        lax.fori_loop(0, NITG // 2, outer, 0)
        wait_scatter(0)
        wait_scatter(1)

    return k(ids, word)


def _tc_math(st_ref, sg_ref, pos_ref, c_ref, o_ref):
    sf = sg_ref[...].astype(jnp.float32)
    x = st_ref[...] + c_ref[0:1, :] + sf * c_ref[1:2, :]
    p = pos_ref[...]
    x = x + jnp.concatenate([p] * (BT // L_), axis=0)
    mu = jnp.mean(x, axis=-1, keepdims=True)
    xc = x - mu
    var = jnp.mean(xc * xc, axis=-1, keepdims=True)
    y = xc * lax.rsqrt(var + LN_EPS_) * c_ref[4:5, :]
    o_ref[...] = y + c_ref[2:3, :] + sf * c_ref[3:4, :]


def _tc_ln(staged, seg2d, pos200, consts):
    return pl.pallas_call(
        _tc_math,
        grid=(NBLK,),
        in_specs=[
            pl.BlockSpec((BT, H_), lambda b: (b, 0)),
            pl.BlockSpec((BT, 1), lambda b: (b, 0)),
            pl.BlockSpec((L_, H_), lambda b: (0, 0)),
            pl.BlockSpec((5, H_), lambda b: (0, 0)),
        ],
        out_specs=pl.BlockSpec((BT, H_), lambda b: (b, 0)),
        out_shape=jax.ShapeDtypeStruct((NTOK, H_), jnp.float32),
        compiler_params=pltpu.CompilerParams(
            dimension_semantics=("arbitrary",)),
    )(staged, seg2d, pos200, consts)


def kernel(input_ids, segment_ids, word_emb, pos_emb, type_emb, ln_gamma,
           ln_beta, vilt_type_emb):
    ids = input_ids.reshape(-1)
    seg2d = segment_ids.reshape(-1, 1)

    staged = _sc_gather(ids, word_emb)

    pos200 = pos_emb[:L_]
    consts = jnp.stack([
        type_emb[0],
        type_emb[1] - type_emb[0],
        ln_beta + vilt_type_emb[0],
        vilt_type_emb[1] - vilt_type_emb[0],
        ln_gamma,
    ], axis=0)

    out = _tc_ln(staged, seg2d, pos200, consts)
    return out.reshape(B_, L_, H_)

# --- scband reference (transcript-rebuilt; emitter-appended) ---
"""Pipeline reference for scband-vi-lttext-embedding-54485955117428 (READ-ONLY COPY).

The authoritative reference and input builder live on the scoring server;
editing this copy changes nothing except your own understanding.
"""

import jax, jax.numpy as jnp
import numpy as np

VOCAB = 30522
HIDDEN = 768
MAX_POS = 512
B, L = 1024, 200
LN_EPS = 1e-12


def setup_inputs(seed: int = 0) -> dict:
    key = jax.random.key(seed)
    k1, k2, k3, k4, k5 = jax.random.split(key, 5)
    input_ids = jax.random.randint(k1, (B, L), 0, VOCAB, dtype=jnp.int64 if jax.config.jax_enable_x64 else jnp.int32).astype(jnp.int32)
    segment_ids = jax.random.randint(k2, (B, L), 0, 2).astype(jnp.int32)
    word_emb = jax.random.normal(k3, (VOCAB, HIDDEN), dtype=jnp.float32) * 0.02
    pos_emb = jax.random.normal(k4, (MAX_POS, HIDDEN), dtype=jnp.float32) * 0.02
    k6, k7 = jax.random.split(k5)
    type_emb = jax.random.normal(k6, (2, HIDDEN), dtype=jnp.float32) * 0.02
    vilt_type_emb = jax.random.normal(k7, (2, HIDDEN), dtype=jnp.float32) * 0.02
    ln_gamma = jnp.ones((HIDDEN,), dtype=jnp.float32)
    ln_beta = jnp.zeros((HIDDEN,), dtype=jnp.float32)
    return {
        "input_ids": input_ids,
        "segment_ids": segment_ids,
        "word_emb": word_emb,
        "pos_emb": pos_emb,
        "type_emb": type_emb,
        "ln_gamma": ln_gamma,
        "ln_beta": ln_beta,
        "vilt_type_emb": vilt_type_emb,
    }


def reference(input_ids, segment_ids, word_emb, pos_emb, type_emb, ln_gamma, ln_beta, vilt_type_emb):
    # BERT embeddings: word + position + token_type, then LayerNorm (dropout is identity in eval)
    seq_len = input_ids.shape[1]
    pos_ids = jnp.arange(seq_len, dtype=jnp.int32)
    e = (jnp.take(word_emb, input_ids, axis=0)
         + jnp.take(pos_emb, pos_ids, axis=0)[None, :, :]
         + jnp.take(type_emb, segment_ids, axis=0))
    mu = jnp.mean(e, axis=-1, keepdims=True)
    var = jnp.mean(jnp.square(e - mu), axis=-1, keepdims=True)
    e = (e - mu) / jnp.sqrt(var + LN_EPS) * ln_gamma + ln_beta
    # ViLT adds an extra modality token-type embedding AFTER the BERT embedding block
    text_type_embed = jnp.take(vilt_type_emb, segment_ids, axis=0)
    return e + text_type_embed

if __name__ == "__main__":
    import jax
    _d = setup_inputs()
    print(jax.jit(kernel)(*tuple(_d.values())))

</pallas_src>

<mosaic_0001>
#map = affine_map<(d0, d1) -> (0)>
#map1 = affine_map<(d0, d1) -> (0, 0)>
module attributes {stable_mosaic.version = 14 : i64} {
  func.func @k(%arg0: i32, %arg1: i32, %arg2: memref<204800xi32, #tpu.memory_space<hbm>>, %arg3: memref<30522x768xf32, #tpu.memory_space<hbm>>, %arg4: memref<204800x768xf32, #tpu.memory_space<hbm>>, %arg5: memref<2x80x768xf32, #tpu.memory_space<vmem>>, %arg6: memref<2x80xi32, #tpu.memory_space<vmem>>, %arg7: memref<!tpu.dma_semaphore, #tpu.memory_space<semaphore_mem>>, %arg8: memref<!tpu.dma_semaphore, #tpu.memory_space<semaphore_mem>>, %arg9: memref<!tpu.dma_semaphore, #tpu.memory_space<semaphore_mem>>, %arg10: memref<!tpu.dma_semaphore, #tpu.memory_space<semaphore_mem>>) attributes {dimension_semantics = [#tpu.dimension_semantics<core_parallel>, #tpu.dimension_semantics<subcore_parallel>], iteration_bounds = array<i64: 2, 16>, scalar_prefetch = 0 : i64, scratch_operands = 6 : i64, tpu.core_type = #tpu.core_type<sc_vector_subcore>, window_params = [{transform_indices = #map}, {transform_indices = #map1}, {transform_indices = #map1}]} {
    %mul3A = arith.constant 2 : i32
    %mul3A_0 = arith.muli %arg1, %mul3A : i32
    %add3A = arith.addi %mul3A_0, %arg0 : i32
    %mul3A_1 = arith.constant 6400 : i32
    %mul3A_2 = arith.muli %add3A, %mul3A_1 : i32
    %add3A_3 = arith.constant 0 : i32
    %add3A_4 = arith.addi %mul3A_2, %add3A_3 : i32
    %run_scoped3A = arith.constant 0 : i32
    "tpu.region"() ({
      %run_scoped3A_50 = tpu.sem_alloc : memref<!tpu.dma_semaphore, #tpu.memory_space<semaphore_mem>>
      %dma_start3A_51 = arith.constant 0 : i32
      %dma_start3A_52 = tpu.memref_slice %arg6[%run_scoped3A, %dma_start3A_51] : memref<2x80xi32, #tpu.memory_space<vmem>> -> memref<1x80xi32, #tpu.memory_space<vmem>>
      %dma_start3A_53 = tpu.memref_squeeze %dma_start3A_52 : memref<1x80xi32, #tpu.memory_space<vmem>> -> memref<80xi32, #tpu.memory_space<vmem>>
      %dma_start3A_54 = tpu.memref_slice %arg2[%add3A_4] : memref<204800xi32, #tpu.memory_space<hbm>> -> memref<80xi32, #tpu.memory_space<hbm>>
      %dma_start3A_55 = arith.constant 0 : i32
      %dma_start3A_56 = tpu.memref_slice %arg6[%run_scoped3A, %dma_start3A_55] : memref<2x80xi32, #tpu.memory_space<vmem>> -> memref<1x80xi32, #tpu.memory_space<vmem>>
      %dma_start3A_57 = tpu.memref_squeeze %dma_start3A_56 : memref<1x80xi32, #tpu.memory_space<vmem>> -> memref<80xi32, #tpu.memory_space<vmem>>
      %dma_start3A_58 = tpu.memref_slice %arg2[%add3A_4] : memref<204800xi32, #tpu.memory_space<hbm>> -> memref<80xi32, #tpu.memory_space<hbm>>
      tpu.enqueue_dma source(%dma_start3A_58 : memref<80xi32, #tpu.memory_space<hbm>>) target(%dma_start3A_57 : memref<80xi32, #tpu.memory_space<vmem>>) target_semaphore(%run_scoped3A_50 : memref<!tpu.dma_semaphore, #tpu.memory_space<semaphore_mem>>)
      %dma_wait3A_59 = arith.constant 0 : i32
      %dma_wait3A_60 = tpu.memref_slice %arg6[%run_scoped3A, %dma_wait3A_59] : memref<2x80xi32, #tpu.memory_space<vmem>> -> memref<1x80xi32, #tpu.memory_space<vmem>>
      %dma_wait3A_61 = tpu.memref_squeeze %dma_wait3A_60 : memref<1x80xi32, #tpu.memory_space<vmem>> -> memref<80xi32, #tpu.memory_space<vmem>>
      %dma_wait3A_62 = tpu.memref_slice %arg2[%add3A_4] : memref<204800xi32, #tpu.memory_space<hbm>> -> memref<80xi32, #tpu.memory_space<hbm>>
      %dma_wait3A_63 = arith.constant 0 : i32
      %dma_wait3A_64 = tpu.memref_slice %arg6[%run_scoped3A, %dma_wait3A_63] : memref<2x80xi32, #tpu.memory_space<vmem>> -> memref<1x80xi32, #tpu.memory_space<vmem>>
      %dma_wait3A_65 = tpu.memref_squeeze %dma_wait3A_64 : memref<1x80xi32, #tpu.memory_space<vmem>> -> memref<80xi32, #tpu.memory_space<vmem>>
      %dma_wait3A_66 = tpu.memref_slice %arg2[%add3A_4] : memref<204800xi32, #tpu.memory_space<hbm>> -> memref<80xi32, #tpu.memory_space<hbm>>
      tpu.wait_dma2 semaphore(%run_scoped3A_50 : memref<!tpu.dma_semaphore, #tpu.memory_space<semaphore_mem>>) src(%dma_wait3A_66 : memref<80xi32, #tpu.memory_space<hbm>>) dst(%dma_wait3A_65 : memref<80xi32, #tpu.memory_space<vmem>>)
      tpu.yield
    }) : () -> ()
    %dma_start3A = arith.constant 0 : i32
    %dma_start3A_5 = arith.constant 0 : i32
    %dma_start3A_6 = arith.constant 0 : i32
    %dma_start3A_7 = arith.constant 0 : i32
    %dma_start3A_8 = tpu.memref_slice %arg5[%dma_start3A_5, %dma_start3A_6, %dma_start3A_7] : memref<2x80x768xf32, #tpu.memory_space<vmem>> -> memref<1x80x768xf32, #tpu.memory_space<vmem>>
    %dma_start3A_9 = tpu.memref_squeeze %dma_start3A_8 : memref<1x80x768xf32, #tpu.memory_space<vmem>> -> memref<80x768xf32, #tpu.memory_space<vmem>>
    %dma_start3A_10 = arith.constant 0 : i32
    %dma_start3A_11 = tpu.memref_slice %arg6[%dma_start3A, %dma_start3A_10] : memref<2x80xi32, #tpu.memory_space<vmem>> -> memref<1x80xi32, #tpu.memory_space<vmem>>
    %dma_start3A_12 = tpu.memref_squeeze %dma_start3A_11 : memref<1x80xi32, #tpu.memory_space<vmem>> -> memref<80xi32, #tpu.memory_space<vmem>>
    %dma_start3A_13 = arith.constant 0 : i32
    %dma_start3A_14 = arith.constant 0 : i32
    %dma_start3A_15 = tpu.memref_slice %arg3[%dma_start3A_13, %dma_start3A_14] : memref<30522x768xf32, #tpu.memory_space<hbm>> -> memref<30522x768xf32, #tpu.memory_space<hbm>>
    tpu.enqueue_indirect_dma source(%dma_start3A_15 : memref<30522x768xf32, #tpu.memory_space<hbm>>) target(%dma_start3A_9 : memref<80x768xf32, #tpu.memory_space<vmem>>) offsets(%dma_start3A_12 : memref<80xi32, #tpu.memory_space<vmem>>) semaphore(%arg7 : memref<!tpu.dma_semaphore, #tpu.memory_space<semaphore_mem>>)
    %scan3A = arith.constant 0 : i32
    %scan3A_16 = arith.constant 0 : i32
    %scan3A_17 = arith.constant 40 : i32
    %scan3A_18 = arith.addi %scan3A_16, %scan3A_17 : i32
    %scan3A_19 = arith.constant 1 : i32
    scf.for %scan3A_50 = %scan3A_16 to %scan3A_18 step %scan3A_19  : i32 {
      %mul3A_51 = arith.constant 2 : i32
      %mul3A_52 = arith.muli %scan3A_50, %mul3A_51 : i32
      %add3A_53 = arith.constant 0 : i32
      %add3A_54 = arith.addi %mul3A_52, %add3A_53 : i32
      %add3A_55 = arith.constant 1 : i32
      %add3A_56 = arith.addi %add3A_54, %add3A_55 : i32
      %lt3A = arith.constant 80 : i32
      %lt3A_57 = arith.cmpi slt, %add3A_56, %lt3A : i32
      %convert_element_type3A = arith.extui %lt3A_57 : i1 to i32
      %cond3A = arith.constant 0 : i32
      %cond3A_58 = arith.cmpi ne, %convert_element_type3A, %cond3A : i32
      scf.if %cond3A_58 {
        %ge3A = arith.constant 1 : i32
        %ge3A_124 = arith.cmpi sge, %add3A_54, %ge3A : i32
        %convert_element_type3A_125 = arith.extui %ge3A_124 : i1 to i32
        %cond3A_126 = arith.constant 0 : i32
        %cond3A_127 = arith.cmpi ne, %convert_element_type3A_125, %cond3A_126 : i32
        scf.if %cond3A_127 {
          %dma_wait3A_146 = arith.constant 1 : i32
          %dma_wait3A_147 = arith.constant 0 : i32
          %dma_wait3A_148 = arith.constant 0 : i32
          %dma_wait3A_149 = tpu.memref_slice %arg5[%dma_wait3A_146, %dma_wait3A_147, %dma_wait3A_148] : memref<2x80x768xf32, #tpu.memory_space<vmem>> -> memref<1x80x768xf32, #tpu.memory_space<vmem>>
          %dma_wait3A_150 = tpu.memref_squeeze %dma_wait3A_149 : memref<1x80x768xf32, #tpu.memory_space<vmem>> -> memref<80x768xf32, #tpu.memory_space<vmem>>
          %dma_wait3A_151 = arith.constant 0 : i32
          %dma_wait3A_152 = arith.constant 0 : i32
          %dma_wait3A_153 = tpu.memref_slice %arg4[%dma_wait3A_151, %dma_wait3A_152] : memref<204800x768xf32, #tpu.memory_space<hbm>> -> memref<80x768xf32, #tpu.memory_space<hbm>>
          %dma_wait3A_154 = arith.constant 0 : i32
          %dma_wait3A_155 = arith.constant 0 : i32
          %dma_wait3A_156 = tpu.memref_slice %arg4[%dma_wait3A_154, %dma_wait3A_155] : memref<204800x768xf32, #tpu.memory_space<hbm>> -> memref<80x768xf32, #tpu.memory_space<hbm>>
          %dma_wait3A_157 = arith.constant 0 : i32
          %dma_wait3A_158 = arith.constant 0 : i32
          %dma_wait3A_159 = tpu.memref_slice %arg5[%dma_wait3A_146, %dma_wait3A_157, %dma_wait3A_158] : memref<2x80x768xf32, #tpu.memory_space<vmem>> -> memref<1x80x768xf32, #tpu.memory_space<vmem>>
          %dma_wait3A_160 = tpu.memref_squeeze %dma_wait3A_159 : memref<1x80x768xf32, #tpu.memory_space<vmem>> -> memref<80x768xf32, #tpu.memory_space<vmem>>
          tpu.wait_dma2 semaphore(%arg10 : memref<!tpu.dma_semaphore, #tpu.memory_space<semaphore_mem>>) src(%dma_wait3A_160 : memref<80x768xf32, #tpu.memory_space<vmem>>) dst(%dma_wait3A_156 : memref<80x768xf32, #tpu.memory_space<hbm>>)
        } else {
        }
        %add3A_128 = arith.constant 1 : i32
        %add3A_129 = arith.addi %add3A_54, %add3A_128 : i32
        %mul3A_130 = arith.constant 80 : i32
        %mul3A_131 = arith.muli %add3A_129, %mul3A_130 : i32
        %add3A_132 = arith.addi %mul3A_2, %mul3A_131 : i32
        %run_scoped3A_133 = arith.constant 1 : i32
        "tpu.region"() ({
          %run_scoped3A_146 = tpu.sem_alloc : memref<!tpu.dma_semaphore, #tpu.memory_space<semaphore_mem>>
          %dma_start3A_147 = arith.constant 0 : i32
          %dma_start3A_148 = tpu.memref_slice %arg6[%run_scoped3A_133, %dma_start3A_147] : memref<2x80xi32, #tpu.memory_space<vmem>> -> memref<1x80xi32, #tpu.memory_space<vmem>>
          %dma_start3A_149 = tpu.memref_squeeze %dma_start3A_148 : memref<1x80xi32, #tpu.memory_space<vmem>> -> memref<80xi32, #tpu.memory_space<vmem>>
          %dma_start3A_150 = tpu.memref_slice %arg2[%add3A_132] : memref<204800xi32, #tpu.memory_space<hbm>> -> memref<80xi32, #tpu.memory_space<hbm>>
          %dma_start3A_151 = arith.constant 0 : i32
          %dma_start3A_152 = tpu.memref_slice %arg6[%run_scoped3A_133, %dma_start3A_151] : memref<2x80xi32, #tpu.memory_space<vmem>> -> memref<1x80xi32, #tpu.memory_space<vmem>>
          %dma_start3A_153 = tpu.memref_squeeze %dma_start3A_152 : memref<1x80xi32, #tpu.memory_space<vmem>> -> memref<80xi32, #tpu.memory_space<vmem>>
          %dma_start3A_154 = tpu.memref_slice %arg2[%add3A_132] : memref<204800xi32, #tpu.memory_space<hbm>> -> memref<80xi32, #tpu.memory_space<hbm>>
          tpu.enqueue_dma source(%dma_start3A_154 : memref<80xi32, #tpu.memory_space<hbm>>) target(%dma_start3A_153 : memref<80xi32, #tpu.memory_space<vmem>>) target_semaphore(%run_scoped3A_146 : memref<!tpu.dma_semaphore, #tpu.memory_space<semaphore_mem>>)
          %dma_wait3A_155 = arith.constant 0 : i32
          %dma_wait3A_156 = tpu.memref_slice %arg6[%run_scoped3A_133, %dma_wait3A_155] : memref<2x80xi32, #tpu.memory_space<vmem>> -> memref<1x80xi32, #tpu.memory_space<vmem>>
          %dma_wait3A_157 = tpu.memref_squeeze %dma_wait3A_156 : memref<1x80xi32, #tpu.memory_space<vmem>> -> memref<80xi32, #tpu.memory_space<vmem>>
          %dma_wait3A_158 = tpu.memref_slice %arg2[%add3A_132] : memref<204800xi32, #tpu.memory_space<hbm>> -> memref<80xi32, #tpu.memory_space<hbm>>
          %dma_wait3A_159 = arith.constant 0 : i32
          %dma_wait3A_160 = tpu.memref_slice %arg6[%run_scoped3A_133, %dma_wait3A_159] : memref<2x80xi32, #tpu.memory_space<vmem>> -> memref<1x80xi32, #tpu.memory_space<vmem>>
          %dma_wait3A_161 = tpu.memref_squeeze %dma_wait3A_160 : memref<1x80xi32, #tpu.memory_space<vmem>> -> memref<80xi32, #tpu.memory_space<vmem>>
          %dma_wait3A_162 = tpu.memref_slice %arg2[%add3A_132] : memref<204800xi32, #tpu.memory_space<hbm>> -> memref<80xi32, #tpu.memory_space<hbm>>
          tpu.wait_dma2 semaphore(%run_scoped3A_146 : memref<!tpu.dma_semaphore, #tpu.memory_space<semaphore_mem>>) src(%dma_wait3A_162 : memref<80xi32, #tpu.memory_space<hbm>>) dst(%dma_wait3A_161 : memref<80xi32, #tpu.memory_space<vmem>>)
          tpu.yield
        }) : () -> ()
        %dma_start3A_134 = arith.constant 1 : i32
        %dma_start3A_135 = arith.constant 1 : i32
        %dma_start3A_136 = arith.constant 0 : i32
        %dma_start3A_137 = arith.constant 0 : i32
        %dma_start3A_138 = tpu.memref_slice %arg5[%dma_start3A_135, %dma_start3A_136, %dma_start3A_137] : memref<2x80x768xf32, #tpu.memory_space<vmem>> -> memref<1x80x768xf32, #tpu.memory_space<vmem>>
        %dma_start3A_139 = tpu.memref_squeeze %dma_start3A_138 : memref<1x80x768xf32, #tpu.memory_space<vmem>> -> memref<80x768xf32, #tpu.memory_space<vmem>>
        %dma_start3A_140 = arith.constant 0 : i32
        %dma_start3A_141 = tpu.memref_slice %arg6[%dma_start3A_134, %dma_start3A_140] : memref<2x80xi32, #tpu.memory_space<vmem>> -> memref<1x80xi32, #tpu.memory_space<vmem>>
        %dma_start3A_142 = tpu.memref_squeeze %dma_start3A_141 : memref<1x80xi32, #tpu.memory_space<vmem>> -> memref<80xi32, #tpu.memory_space<vmem>>
        %dma_start3A_143 = arith.constant 0 : i32
        %dma_start3A_144 = arith.constant 0 : i32
        %dma_start3A_145 = tpu.memref_slice %arg3[%dma_start3A_143, %dma_start3A_144] : memref<30522x768xf32, #tpu.memory_space<hbm>> -> memref<30522x768xf32, #tpu.memory_space<hbm>>
        tpu.enqueue_indirect_dma source(%dma_start3A_145 : memref<30522x768xf32, #tpu.memory_space<hbm>>) target(%dma_start3A_139 : memref<80x768xf32, #tpu.memory_space<vmem>>) offsets(%dma_start3A_142 : memref<80xi32, #tpu.memory_space<vmem>>) semaphore(%arg8 : memref<!tpu.dma_semaphore, #tpu.memory_space<semaphore_mem>>)
      } else {
      }
      %dma_wait3A_59 = arith.constant 0 : i32
      %dma_wait3A_60 = arith.constant 0 : i32
      %dma_wait3A_61 = arith.constant 0 : i32
      %dma_wait3A_62 = arith.constant 0 : i32
      %dma_wait3A_63 = tpu.memref_slice %arg5[%dma_wait3A_60, %dma_wait3A_61, %dma_wait3A_62] : memref<2x80x768xf32, #tpu.memory_space<vmem>> -> memref<1x80x768xf32, #tpu.memory_space<vmem>>
      %dma_wait3A_64 = tpu.memref_squeeze %dma_wait3A_63 : memref<1x80x768xf32, #tpu.memory_space<vmem>> -> memref<80x768xf32, #tpu.memory_space<vmem>>
      %dma_wait3A_65 = arith.constant 0 : i32
      %dma_wait3A_66 = tpu.memref_slice %arg6[%dma_wait3A_59, %dma_wait3A_65] : memref<2x80xi32, #tpu.memory_space<vmem>> -> memref<1x80xi32, #tpu.memory_space<vmem>>
      %dma_wait3A_67 = tpu.memref_squeeze %dma_wait3A_66 : memref<1x80xi32, #tpu.memory_space<vmem>> -> memref<80xi32, #tpu.memory_space<vmem>>
      %dma_wait3A_68 = arith.constant 0 : i32
      %dma_wait3A_69 = arith.constant 0 : i32
      %dma_wait3A_70 = tpu.memref_slice %arg3[%dma_wait3A_68, %dma_wait3A_69] : memref<30522x768xf32, #tpu.memory_space<hbm>> -> memref<30522x768xf32, #tpu.memory_space<hbm>>
      tpu.wait_indirect_dma semaphore(%arg7 : memref<!tpu.dma_semaphore, #tpu.memory_space<semaphore_mem>>) src(%dma_wait3A_70 : memref<30522x768xf32, #tpu.memory_space<hbm>>) dst(%dma_wait3A_64 : memref<80x768xf32, #tpu.memory_space<vmem>>)
      %mul3A_71 = arith.constant 80 : i32
      %mul3A_72 = arith.muli %add3A_54, %mul3A_71 : i32
      %add3A_73 = arith.addi %mul3A_2, %mul3A_72 : i32
      %dma_start3A_74 = arith.constant 0 : i32
      %dma_start3A_75 = arith.constant 0 : i32
      %dma_start3A_76 = arith.constant 0 : i32
      %dma_start3A_77 = tpu.memref_slice %arg5[%dma_start3A_74, %dma_start3A_75, %dma_start3A_76] : memref<2x80x768xf32, #tpu.memory_space<vmem>> -> memref<1x80x768xf32, #tpu.memory_space<vmem>>
      %dma_start3A_78 = tpu.memref_squeeze %dma_start3A_77 : memref<1x80x768xf32, #tpu.memory_space<vmem>> -> memref<80x768xf32, #tpu.memory_space<vmem>>
      %dma_start3A_79 = arith.constant 0 : i32
      %dma_start3A_80 = tpu.memref_slice %arg4[%add3A_73, %dma_start3A_79] : memref<204800x768xf32, #tpu.memory_space<hbm>> -> memref<80x768xf32, #tpu.memory_space<hbm>>
      %dma_start3A_81 = arith.constant 0 : i32
      %dma_start3A_82 = tpu.memref_slice %arg4[%add3A_73, %dma_start3A_81] : memref<204800x768xf32, #tpu.memory_space<hbm>> -> memref<80x768xf32, #tpu.memory_space<hbm>>
      %dma_start3A_83 = arith.constant 0 : i32
      %dma_start3A_84 = arith.constant 0 : i32
      %dma_start3A_85 = tpu.memref_slice %arg5[%dma_start3A_74, %dma_start3A_83, %dma_start3A_84] : memref<2x80x768xf32, #tpu.memory_space<vmem>> -> memref<1x80x768xf32, #tpu.memory_space<vmem>>
      %dma_start3A_86 = tpu.memref_squeeze %dma_start3A_85 : memref<1x80x768xf32, #tpu.memory_space<vmem>> -> memref<80x768xf32, #tpu.memory_space<vmem>>
      tpu.enqueue_dma source(%dma_start3A_86 : memref<80x768xf32, #tpu.memory_space<vmem>>) target(%dma_start3A_82 : memref<80x768xf32, #tpu.memory_space<hbm>>) target_semaphore(%arg9 : memref<!tpu.dma_semaphore, #tpu.memory_space<semaphore_mem>>)
      %add3A_87 = arith.constant 1 : i32
      %add3A_88 = arith.addi %mul3A_52, %add3A_87 : i32
      %add3A_89 = arith.constant 1 : i32
      %add3A_90 = arith.addi %add3A_88, %add3A_89 : i32
      %lt3A_91 = arith.constant 80 : i32
      %lt3A_92 = arith.cmpi slt, %add3A_90, %lt3A_91 : i32
      %convert_element_type3A_93 = arith.extui %lt3A_92 : i1 to i32
      %cond3A_94 = arith.constant 0 : i32
      %cond3A_95 = arith.cmpi ne, %convert_element_type3A_93, %cond3A_94 : i32
      scf.if %cond3A_95 {
        %ge3A = arith.constant 1 : i32
        %ge3A_124 = arith.cmpi sge, %add3A_88, %ge3A : i32
        %convert_element_type3A_125 = arith.extui %ge3A_124 : i1 to i32
        %cond3A_126 = arith.constant 0 : i32
        %cond3A_127 = arith.cmpi ne, %convert_element_type3A_125, %cond3A_126 : i32
        scf.if %cond3A_127 {
          %dma_wait3A_146 = arith.constant 0 : i32
          %dma_wait3A_147 = arith.constant 0 : i32
          %dma_wait3A_148 = arith.constant 0 : i32
          %dma_wait3A_149 = tpu.memref_slice %arg5[%dma_wait3A_146, %dma_wait3A_147, %dma_wait3A_148] : memref<2x80x768xf32, #tpu.memory_space<vmem>> -> memref<1x80x768xf32, #tpu.memory_space<vmem>>
          %dma_wait3A_150 = tpu.memref_squeeze %dma_wait3A_149 : memref<1x80x768xf32, #tpu.memory_space<vmem>> -> memref<80x768xf32, #tpu.memory_space<vmem>>
          %dma_wait3A_151 = arith.constant 0 : i32
          %dma_wait3A_152 = arith.constant 0 : i32
          %dma_wait3A_153 = tpu.memref_slice %arg4[%dma_wait3A_151, %dma_wait3A_152] : memref<204800x768xf32, #tpu.memory_space<hbm>> -> memref<80x768xf32, #tpu.memory_space<hbm>>
          %dma_wait3A_154 = arith.constant 0 : i32
          %dma_wait3A_155 = arith.constant 0 : i32
          %dma_wait3A_156 = tpu.memref_slice %arg4[%dma_wait3A_154, %dma_wait3A_155] : memref<204800x768xf32, #tpu.memory_space<hbm>> -> memref<80x768xf32, #tpu.memory_space<hbm>>
          %dma_wait3A_157 = arith.constant 0 : i32
          %dma_wait3A_158 = arith.constant 0 : i32
          %dma_wait3A_159 = tpu.memref_slice %arg5[%dma_wait3A_146, %dma_wait3A_157, %dma_wait3A_158] : memref<2x80x768xf32, #tpu.memory_space<vmem>> -> memref<1x80x768xf32, #tpu.memory_space<vmem>>
          %dma_wait3A_160 = tpu.memref_squeeze %dma_wait3A_159 : memref<1x80x768xf32, #tpu.memory_space<vmem>> -> memref<80x768xf32, #tpu.memory_space<vmem>>
          tpu.wait_dma2 semaphore(%arg9 : memref<!tpu.dma_semaphore, #tpu.memory_space<semaphore_mem>>) src(%dma_wait3A_160 : memref<80x768xf32, #tpu.memory_space<vmem>>) dst(%dma_wait3A_156 : memref<80x768xf32, #tpu.memory_space<hbm>>)
        } else {
        }
        %add3A_128 = arith.constant 1 : i32
        %add3A_129 = arith.addi %add3A_88, %add3A_128 : i32
        %mul3A_130 = arith.constant 80 : i32
        %mul3A_131 = arith.muli %add3A_129, %mul3A_130 : i32
        %add3A_132 = arith.addi %mul3A_2, %mul3A_131 : i32
        %run_scoped3A_133 = arith.constant 0 : i32
        "tpu.region"() ({
          %run_scoped3A_146 = tpu.sem_alloc : memref<!tpu.dma_semaphore, #tpu.memory_space<semaphore_mem>>
          %dma_start3A_147 = arith.constant 0 : i32
          %dma_start3A_148 = tpu.memref_slice %arg6[%run_scoped3A_133, %dma_start3A_147] : memref<2x80xi32, #tpu.memory_space<vmem>> -> memref<1x80xi32, #tpu.memory_space<vmem>>
          %dma_start3A_149 = tpu.memref_squeeze %dma_start3A_148 : memref<1x80xi32, #tpu.memory_space<vmem>> -> memref<80xi32, #tpu.memory_space<vmem>>
          %dma_start3A_150 = tpu.memref_slice %arg2[%add3A_132] : memref<204800xi32, #tpu.memory_space<hbm>> -> memref<80xi32, #tpu.memory_space<hbm>>
          %dma_start3A_151 = arith.constant 0 : i32
          %dma_start3A_152 = tpu.memref_slice %arg6[%run_scoped3A_133, %dma_start3A_151] : memref<2x80xi32, #tpu.memory_space<vmem>> -> memref<1x80xi32, #tpu.memory_space<vmem>>
          %dma_start3A_153 = tpu.memref_squeeze %dma_start3A_152 : memref<1x80xi32, #tpu.memory_space<vmem>> -> memref<80xi32, #tpu.memory_space<vmem>>
          %dma_start3A_154 = tpu.memref_slice %arg2[%add3A_132] : memref<204800xi32, #tpu.memory_space<hbm>> -> memref<80xi32, #tpu.memory_space<hbm>>
          tpu.enqueue_dma source(%dma_start3A_154 : memref<80xi32, #tpu.memory_space<hbm>>) target(%dma_start3A_153 : memref<80xi32, #tpu.memory_space<vmem>>) target_semaphore(%run_scoped3A_146 : memref<!tpu.dma_semaphore, #tpu.memory_space<semaphore_mem>>)
          %dma_wait3A_155 = arith.constant 0 : i32
          %dma_wait3A_156 = tpu.memref_slice %arg6[%run_scoped3A_133, %dma_wait3A_155] : memref<2x80xi32, #tpu.memory_space<vmem>> -> memref<1x80xi32, #tpu.memory_space<vmem>>
          %dma_wait3A_157 = tpu.memref_squeeze %dma_wait3A_156 : memref<1x80xi32, #tpu.memory_space<vmem>> -> memref<80xi32, #tpu.memory_space<vmem>>
          %dma_wait3A_158 = tpu.memref_slice %arg2[%add3A_132] : memref<204800xi32, #tpu.memory_space<hbm>> -> memref<80xi32, #tpu.memory_space<hbm>>
          %dma_wait3A_159 = arith.constant 0 : i32
          %dma_wait3A_160 = tpu.memref_slice %arg6[%run_scoped3A_133, %dma_wait3A_159] : memref<2x80xi32, #tpu.memory_space<vmem>> -> memref<1x80xi32, #tpu.memory_space<vmem>>
          %dma_wait3A_161 = tpu.memref_squeeze %dma_wait3A_160 : memref<1x80xi32, #tpu.memory_space<vmem>> -> memref<80xi32, #tpu.memory_space<vmem>>
          %dma_wait3A_162 = tpu.memref_slice %arg2[%add3A_132] : memref<204800xi32, #tpu.memory_space<hbm>> -> memref<80xi32, #tpu.memory_space<hbm>>
          tpu.wait_dma2 semaphore(%run_scoped3A_146 : memref<!tpu.dma_semaphore, #tpu.memory_space<semaphore_mem>>) src(%dma_wait3A_162 : memref<80xi32, #tpu.memory_space<hbm>>) dst(%dma_wait3A_161 : memref<80xi32, #tpu.memory_space<vmem>>)
          tpu.yield
        }) : () -> ()
        %dma_start3A_134 = arith.constant 0 : i32
        %dma_start3A_135 = arith.constant 0 : i32
        %dma_start3A_136 = arith.constant 0 : i32
        %dma_start3A_137 = arith.constant 0 : i32
        %dma_start3A_138 = tpu.memref_slice %arg5[%dma_start3A_135, %dma_start3A_136, %dma_start3A_137] : memref<2x80x768xf32, #tpu.memory_space<vmem>> -> memref<1x80x768xf32, #tpu.memory_space<vmem>>
        %dma_start3A_139 = tpu.memref_squeeze %dma_start3A_138 : memref<1x80x768xf32, #tpu.memory_space<vmem>> -> memref<80x768xf32, #tpu.memory_space<vmem>>
        %dma_start3A_140 = arith.constant 0 : i32
        %dma_start3A_141 = tpu.memref_slice %arg6[%dma_start3A_134, %dma_start3A_140] : memref<2x80xi32, #tpu.memory_space<vmem>> -> memref<1x80xi32, #tpu.memory_space<vmem>>
        %dma_start3A_142 = tpu.memref_squeeze %dma_start3A_141 : memref<1x80xi32, #tpu.memory_space<vmem>> -> memref<80xi32, #tpu.memory_space<vmem>>
        %dma_start3A_143 = arith.constant 0 : i32
        %dma_start3A_144 = arith.constant 0 : i32
        %dma_start3A_145 = tpu.memref_slice %arg3[%dma_start3A_143, %dma_start3A_144] : memref<30522x768xf32, #tpu.memory_space<hbm>> -> memref<30522x768xf32, #tpu.memory_space<hbm>>
        tpu.enqueue_indirect_dma source(%dma_start3A_145 : memref<30522x768xf32, #tpu.memory_space<hbm>>) target(%dma_start3A_139 : memref<80x768xf32, #tpu.memory_space<vmem>>) offsets(%dma_start3A_142 : memref<80xi32, #tpu.memory_space<vmem>>) semaphore(%arg7 : memref<!tpu.dma_semaphore, #tpu.memory_space<semaphore_mem>>)
      } else {
      }
      %dma_wait3A_96 = arith.constant 1 : i32
      %dma_wait3A_97 = arith.constant 1 : i32
      %dma_wait3A_98 = arith.constant 0 : i32
      %dma_wait3A_99 = arith.constant 0 : i32
      %dma_wait3A_100 = tpu.memref_slice %arg5[%dma_wait3A_97, %dma_wait3A_98, %dma_wait3A_99] : memref<2x80x768xf32, #tpu.memory_space<vmem>> -> memref<1x80x768xf32, #tpu.memory_space<vmem>>
      %dma_wait3A_101 = tpu.memref_squeeze %dma_wait3A_100 : memref<1x80x768xf32, #tpu.memory_space<vmem>> -> memref<80x768xf32, #tpu.memory_space<vmem>>
      %dma_wait3A_102 = arith.constant 0 : i32
      %dma_wait3A_103 = tpu.memref_slice %arg6[%dma_wait3A_96, %dma_wait3A_102] : memref<2x80xi32, #tpu.memory_space<vmem>> -> memref<1x80xi32, #tpu.memory_space<vmem>>
      %dma_wait3A_104 = tpu.memref_squeeze %dma_wait3A_103 : memref<1x80xi32, #tpu.memory_space<vmem>> -> memref<80xi32, #tpu.memory_space<vmem>>
      %dma_wait3A_105 = arith.constant 0 : i32
      %dma_wait3A_106 = arith.constant 0 : i32
      %dma_wait3A_107 = tpu.memref_slice %arg3[%dma_wait3A_105, %dma_wait3A_106] : memref<30522x768xf32, #tpu.memory_space<hbm>> -> memref<30522x768xf32, #tpu.memory_space<hbm>>
      tpu.wait_indirect_dma semaphore(%arg8 : memref<!tpu.dma_semaphore, #tpu.memory_space<semaphore_mem>>) src(%dma_wait3A_107 : memref<30522x768xf32, #tpu.memory_space<hbm>>) dst(%dma_wait3A_101 : memref<80x768xf32, #tpu.memory_space<vmem>>)
      %mul3A_108 = arith.constant 80 : i32
      %mul3A_109 = arith.muli %add3A_88, %mul3A_108 : i32
      %add3A_110 = arith.addi %mul3A_2, %mul3A_109 : i32
      %dma_start3A_111 = arith.constant 1 : i32
      %dma_start3A_112 = arith.constant 0 : i32
      %dma_start3A_113 = arith.constant 0 : i32
      %dma_start3A_114 = tpu.memref_slice %arg5[%dma_start3A_111, %dma_start3A_112, %dma_start3A_113] : memref<2x80x768xf32, #tpu.memory_space<vmem>> -> memref<1x80x768xf32, #tpu.memory_space<vmem>>
      %dma_start3A_115 = tpu.memref_squeeze %dma_start3A_114 : memref<1x80x768xf32, #tpu.memory_space<vmem>> -> memref<80x768xf32, #tpu.memory_space<vmem>>
      %dma_start3A_116 = arith.constant 0 : i32
      %dma_start3A_117 = tpu.memref_slice %arg4[%add3A_110, %dma_start3A_116] : memref<204800x768xf32, #tpu.memory_space<hbm>> -> memref<80x768xf32, #tpu.memory_space<hbm>>
      %dma_start3A_118 = arith.constant 0 : i32
      %dma_start3A_119 = tpu.memref_slice %arg4[%add3A_110, %dma_start3A_118] : memref<204800x768xf32, #tpu.memory_space<hbm>> -> memref<80x768xf32, #tpu.memory_space<hbm>>
      %dma_start3A_120 = arith.constant 0 : i32
      %dma_start3A_121 = arith.constant 0 : i32
      %dma_start3A_122 = tpu.memref_slice %arg5[%dma_start3A_111, %dma_start3A_120, %dma_start3A_121] : memref<2x80x768xf32, #tpu.memory_space<vmem>> -> memref<1x80x768xf32, #tpu.memory_space<vmem>>
      %dma_start3A_123 = tpu.memref_squeeze %dma_start3A_122 : memref<1x80x768xf32, #tpu.memory_space<vmem>> -> memref<80x768xf32, #tpu.memory_space<vmem>>
      tpu.enqueue_dma source(%dma_start3A_123 : memref<80x768xf32, #tpu.memory_space<vmem>>) target(%dma_start3A_119 : memref<80x768xf32, #tpu.memory_space<hbm>>) target_semaphore(%arg10 : memref<!tpu.dma_semaphore, #tpu.memory_space<semaphore_mem>>)
    }
    %scan3A_20 = arith.constant 40 : i32
    %dma_wait3A = arith.constant 0 : i32
    %dma_wait3A_21 = arith.constant 0 : i32
    %dma_wait3A_22 = arith.constant 0 : i32
    %dma_wait3A_23 = tpu.memref_slice %arg5[%dma_wait3A, %dma_wait3A_21, %dma_wait3A_22] : memref<2x80x768xf32, #tpu.memory_space<vmem>> -> memref<1x80x768xf32, #tpu.memory_space<vmem>>
    %dma_wait3A_24 = tpu.memref_squeeze %dma_wait3A_23 : memref<1x80x768xf32, #tpu.memory_space<vmem>> -> memref<80x768xf32, #tpu.memory_space<vmem>>
    %dma_wait3A_25 = arith.constant 0 : i32
    %dma_wait3A_26 = arith.constant 0 : i32
    %dma_wait3A_27 = tpu.memref_slice %arg4[%dma_wait3A_25, %dma_wait3A_26] : memref<204800x768xf32, #tpu.memory_space<hbm>> -> memref<80x768xf32, #tpu.memory_space<hbm>>
    %dma_wait3A_28 = arith.constant 0 : i32
    %dma_wait3A_29 = arith.constant 0 : i32
    %dma_wait3A_30 = tpu.memref_slice %arg4[%dma_wait3A_28, %dma_wait3A_29] : memref<204800x768xf32, #tpu.memory_space<hbm>> -> memref<80x768xf32, #tpu.memory_space<hbm>>
    %dma_wait3A_31 = arith.constant 0 : i32
    %dma_wait3A_32 = arith.constant 0 : i32
    %dma_wait3A_33 = tpu.memref_slice %arg5[%dma_wait3A, %dma_wait3A_31, %dma_wait3A_32] : memref<2x80x768xf32, #tpu.memory_space<vmem>> -> memref<1x80x768xf32, #tpu.memory_space<vmem>>
    %dma_wait3A_34 = tpu.memref_squeeze %dma_wait3A_33 : memref<1x80x768xf32, #tpu.memory_space<vmem>> -> memref<80x768xf32, #tpu.memory_space<vmem>>
    tpu.wait_dma2 semaphore(%arg9 : memref<!tpu.dma_semaphore, #tpu.memory_space<semaphore_mem>>) src(%dma_wait3A_34 : memref<80x768xf32, #tpu.memory_space<vmem>>) dst(%dma_wait3A_30 : memref<80x768xf32, #tpu.memory_space<hbm>>)
    %dma_wait3A_35 = arith.constant 1 : i32
    %dma_wait3A_36 = arith.constant 0 : i32
    %dma_wait3A_37 = arith.constant 0 : i32
    %dma_wait3A_38 = tpu.memref_slice %arg5[%dma_wait3A_35, %dma_wait3A_36, %dma_wait3A_37] : memref<2x80x768xf32, #tpu.memory_space<vmem>> -> memref<1x80x768xf32, #tpu.memory_space<vmem>>
    %dma_wait3A_39 = tpu.memref_squeeze %dma_wait3A_38 : memref<1x80x768xf32, #tpu.memory_space<vmem>> -> memref<80x768xf32, #tpu.memory_space<vmem>>
    %dma_wait3A_40 = arith.constant 0 : i32
    %dma_wait3A_41 = arith.constant 0 : i32
    %dma_wait3A_42 = tpu.memref_slice %arg4[%dma_wait3A_40, %dma_wait3A_41] : memref<204800x768xf32, #tpu.memory_space<hbm>> -> memref<80x768xf32, #tpu.memory_space<hbm>>
    %dma_wait3A_43 = arith.constant 0 : i32
    %dma_wait3A_44 = arith.constant 0 : i32
    %dma_wait3A_45 = tpu.memref_slice %arg4[%dma_wait3A_43, %dma_wait3A_44] : memref<204800x768xf32, #tpu.memory_space<hbm>> -> memref<80x768xf32, #tpu.memory_space<hbm>>
    %dma_wait3A_46 = arith.constant 0 : i32
    %dma_wait3A_47 = arith.constant 0 : i32
    %dma_wait3A_48 = tpu.memref_slice %arg5[%dma_wait3A_35, %dma_wait3A_46, %dma_wait3A_47] : memref<2x80x768xf32, #tpu.memory_space<vmem>> -> memref<1x80x768xf32, #tpu.memory_space<vmem>>
    %dma_wait3A_49 = tpu.memref_squeeze %dma_wait3A_48 : memref<1x80x768xf32, #tpu.memory_space<vmem>> -> memref<80x768xf32, #tpu.memory_space<vmem>>
    tpu.wait_dma2 semaphore(%arg10 : memref<!tpu.dma_semaphore, #tpu.memory_space<semaphore_mem>>) src(%dma_wait3A_49 : memref<80x768xf32, #tpu.memory_space<vmem>>) dst(%dma_wait3A_45 : memref<80x768xf32, #tpu.memory_space<hbm>>)
    return
  }
}

module attributes {stable_mosaic.version = 14 : i64} {
  func.func @_tc_math(%arg0: i32, %arg1: memref<1600x768xf32, #tpu.memory_space<vmem>>, %arg2: memref<1600x1xi32, #tpu.memory_space<vmem>>, %arg3: memref<200x768xf32, #tpu.memory_space<vmem>>, %arg4: memref<5x768xf32, #tpu.memory_space<vmem>>, %arg5: memref<1600x768xf32, #tpu.memory_space<vmem>>) attributes {dimension_semantics = [#tpu.dimension_semantics<arbitrary>], iteration_bounds = array<i64: 128>, scalar_prefetch = 0 : i64, scratch_operands = 0 : i64, tpu.core_type = #tpu.core_type<tc>, window_params = [{transform_indices = @transform_0, window_bounds = array<i64: 1600, 768>}, {transform_indices = @transform_1, window_bounds = array<i64: 1600, 1>}, {pipeline_mode = #tpu.pipeline_mode<synchronous>, transform_indices = @transform_2, window_bounds = array<i64: 200, 768>}, {pipeline_mode = #tpu.pipeline_mode<synchronous>, transform_indices = @transform_3, window_bounds = array<i64: 5, 768>}, {transform_indices = @transform_4, window_bounds = array<i64: 1600, 768>}]} {
    %get3A = arith.constant 0 : index
    %get3A_0 = arith.constant 0 : index
    %get3A_1 = vector.load %arg2[%get3A, %get3A_0] : memref<1600x1xi32, #tpu.memory_space<vmem>>, vector<1600x1xi32>
    %convert_element_type3A = arith.sitofp %get3A_1 : vector<1600x1xi32> to vector<1600x1xf32>
    %get3A_2 = arith.constant 0 : index
    %get3A_3 = arith.constant 0 : index
    %get3A_4 = vector.load %arg1[%get3A_2, %get3A_3] : memref<1600x768xf32, #tpu.memory_space<vmem>>, vector<1600x768xf32>
    %get3A_5 = arith.constant 0 : index
    %get3A_6 = arith.constant 0 : index
    %get3A_7 = vector.load %arg4[%get3A_5, %get3A_6] : memref<5x768xf32, #tpu.memory_space<vmem>>, vector<1x768xf32>
    %add3A = vector.broadcast %get3A_7 : vector<1x768xf32> to vector<1600x768xf32>
    %add3A_8 = arith.addf %get3A_4, %add3A : vector<1600x768xf32>
    %get3A_9 = arith.constant 1 : index
    %get3A_10 = arith.constant 0 : index
    %get3A_11 = vector.load %arg4[%get3A_9, %get3A_10] : memref<5x768xf32, #tpu.memory_space<vmem>>, vector<1x768xf32>
    %mul3A = vector.broadcast %convert_element_type3A : vector<1600x1xf32> to vector<1600x768xf32>
    %mul3A_12 = vector.broadcast %get3A_11 : vector<1x768xf32> to vector<1600x768xf32>
    %mul3A_13 = arith.mulf %mul3A, %mul3A_12 : vector<1600x768xf32>
    %add3A_14 = arith.addf %add3A_8, %mul3A_13 : vector<1600x768xf32>
    %get3A_15 = arith.constant 0 : index
    %get3A_16 = arith.constant 0 : index
    %get3A_17 = vector.load %arg3[%get3A_15, %get3A_16] : memref<200x768xf32, #tpu.memory_space<vmem>>, vector<200x768xf32>
    %concatenate3A = tpu.concatenate %get3A_17, %get3A_17, %get3A_17, %get3A_17, %get3A_17, %get3A_17, %get3A_17, %get3A_17 in 0 : vector<200x768xf32>, vector<200x768xf32>, vector<200x768xf32>, vector<200x768xf32>, vector<200x768xf32>, vector<200x768xf32>, vector<200x768xf32>, vector<200x768xf32> -> vector<1600x768xf32>
    %add3A_18 = arith.addf %add3A_14, %concatenate3A : vector<1600x768xf32>
    %reduce_sum3A = arith.constant dense<0.000000e+00> : vector<1600xf32>
    %reduce_sum3A_19 = vector.multi_reduction <add>, %add3A_18, %reduce_sum3A [1] : vector<1600x768xf32> to vector<1600xf32>
    %broadcast_in_dim3A = vector.shape_cast %reduce_sum3A_19 : vector<1600xf32> to vector<1600x1xf32>
    %div3A = arith.constant 7.680000e+02 : f32
    %div3A_20 = vector.broadcast %div3A : f32 to vector<1600x1xf32>
    %div3A_21 = arith.divf %broadcast_in_dim3A, %div3A_20 : vector<1600x1xf32>
    %sub3A = vector.broadcast %div3A_21 : vector<1600x1xf32> to vector<1600x768xf32>
    %sub3A_22 = arith.subf %add3A_18, %sub3A : vector<1600x768xf32>
    %mul3A_23 = arith.mulf %sub3A_22, %sub3A_22 : vector<1600x768xf32>
    %reduce_sum3A_24 = arith.constant dense<0.000000e+00> : vector<1600xf32>
    %reduce_sum3A_25 = vector.multi_reduction <add>, %mul3A_23, %reduce_sum3A_24 [1] : vector<1600x768xf32> to vector<1600xf32>
    %broadcast_in_dim3A_26 = vector.shape_cast %reduce_sum3A_25 : vector<1600xf32> to vector<1600x1xf32>
    %div3A_27 = arith.constant 7.680000e+02 : f32
    %div3A_28 = vector.broadcast %div3A_27 : f32 to vector<1600x1xf32>
    %div3A_29 = arith.divf %broadcast_in_dim3A_26, %div3A_28 : vector<1600x1xf32>
    %add3A_30 = arith.constant 9.99999996E-13 : f32
    %add3A_31 = vector.broadcast %add3A_30 : f32 to vector<1600x1xf32>
    %add3A_32 = arith.addf %div3A_29, %add3A_31 : vector<1600x1xf32>
    %rsqrt3A = math.rsqrt %add3A_32 : vector<1600x1xf32>
    %mul3A_33 = vector.broadcast %rsqrt3A : vector<1600x1xf32> to vector<1600x768xf32>
    %mul3A_34 = arith.mulf %sub3A_22, %mul3A_33 : vector<1600x768xf32>
    %get3A_35 = arith.constant 4 : index
    %get3A_36 = arith.constant 0 : index
    %get3A_37 = vector.load %arg4[%get3A_35, %get3A_36] : memref<5x768xf32, #tpu.memory_space<vmem>>, vector<1x768xf32>
    %mul3A_38 = vector.broadcast %get3A_37 : vector<1x768xf32> to vector<1600x768xf32>
    %mul3A_39 = arith.mulf %mul3A_34, %mul3A_38 : vector<1600x768xf32>
    %get3A_40 = arith.constant 2 : index
    %get3A_41 = arith.constant 0 : index
    %get3A_42 = vector.load %arg4[%get3A_40, %get3A_41] : memref<5x768xf32, #tpu.memory_space<vmem>>, vector<1x768xf32>
    %add3A_43 = vector.broadcast %get3A_42 : vector<1x768xf32> to vector<1600x768xf32>
    %add3A_44 = arith.addf %mul3A_39, %add3A_43 : vector<1600x768xf32>
    %get3A_45 = arith.constant 3 : index
    %get3A_46 = arith.constant 0 : index
    %get3A_47 = vector.load %arg4[%get3A_45, %get3A_46] : memref<5x768xf32, #tpu.memory_space<vmem>>, vector<1x768xf32>
    %mul3A_48 = vector.broadcast %convert_element_type3A : vector<1600x1xf32> to vector<1600x768xf32>
    %mul3A_49 = vector.broadcast %get3A_47 : vector<1x768xf32> to vector<1600x768xf32>
    %mul3A_50 = arith.mulf %mul3A_48, %mul3A_49 : vector<1600x768xf32>
    %add3A_51 = arith.addf %add3A_44, %mul3A_50 : vector<1600x768xf32>
    %swap3A = arith.constant 0 : index
    %swap3A_52 = arith.constant 0 : index
    %swap3A_53 = vector.load %arg5[%swap3A, %swap3A_52] : memref<1600x768xf32, #tpu.memory_space<vmem>>, vector<1600x768xf32>
    tpu.vector_store %arg5[%swap3A, %swap3A_52], %add3A_51 {strides = array<i32>} : memref<1600x768xf32, #tpu.memory_space<vmem>>, vector<1600x768xf32>,
    return
  }
  func.func @transform_0(%arg0: i32) -> (i32, i32) {
    %c0_i32 = arith.constant 0 : i32
    %c0_i32_0 = arith.constant 0 : i32
    return %arg0, %c0_i32 : i32, i32
  }
  func.func @transform_1(%arg0: i32) -> (i32, i32) {
    %c0_i32 = arith.constant 0 : i32
    %c0_i32_0 = arith.constant 0 : i32
    return %arg0, %c0_i32 : i32, i32
  }
  func.func @transform_2(%arg0: i32) -> (i32, i32) {
    %c0_i32 = arith.constant 0 : i32
    %c0_i32_0 = arith.constant 0 : i32
    %c0_i32_1 = arith.constant 0 : i32
    return %c0_i32, %c0_i32_0 : i32, i32
  }
  func.func @transform_3(%arg0: i32) -> (i32, i32) {
    %c0_i32 = arith.constant 0 : i32
    %c0_i32_0 = arith.constant 0 : i32
    %c0_i32_1 = arith.constant 0 : i32
    return %c0_i32, %c0_i32_0 : i32, i32
  }
  func.func @transform_4(%arg0: i32) -> (i32, i32) {
    %c0_i32 = arith.constant 0 : i32
    %c0_i32_0 = arith.constant 0 : i32
    return %arg0, %c0_i32 : i32, i32
  }
}

</mosaic_0001>

<sc_bundles>
// kernel: kernel.4.cloned.1.call-start
scs
__scs_entry_jumppad:
0x0: {  	(pc) =	sbr.rel $0x88, $3  }
0x1: {  	(tag) =	ssettag $0x0;
	lr =	simm.s32 $0x1  }
0x2: {  	[smem:$0x3F99] =	sst lr;
	_ =	strace $0xD0000000  }
0x3: {  	_ = 	snop  }
0x4: {  	_ = 	snop  }
0x5: {  	_ = 	snop  }
0x6: {  	_ = 	snop  }
0x7: {  	_ = 	snop  }
__scs_overlays_trampoline_lowered:
0x8: {  	[smem:$0x3FA8] =	sst s0  }
0x9: {  	[smem:$0x3FA9] =	sst s1  }
0xa: {  	[smem:$0x3FAA] =	sst s2  }
0xb: {  	[smem:$0x3FAB] =	sst s3  }
0xc: {  	[smem:$0x3FAC] =	sst s4  }
0xd: {  	[smem:$0x3FAD] =	sst s5  }
0xe: {  	[smem:$0x3FAE] =	sst s6  }
0xf: {  	[smem:$0x3FAF] =	sst s7  }
0x10: {  	[smem:$0x3FB0] =	sst s8  }
0x11: {  	[smem:$0x3FB1] =	sst s9;
	s0 =	simm.s32 @!p0 $0x0  }
0x12: {  	s1 =	sld [smem:$0x3F97];
	s0 =	simm.s32 @p0 $0x1  }
0x13: {  	[smem:$0x3FB2] =	sst s0;
	s0 =	simm.s32 @!p1 $0x0  }
0x14: {  	s2 =	sld [smem:$0x3F96];
	s0 =	simm.s32 @p1 $0x1  }
0x15: {  	[smem:$0x3FB3] =	sst s0;
	s0 =	simm.s32 @!p2 $0x0  }
0x16: {  	s3 =	sld [smem:$0x3FDB];
	s0 =	simm.s32 @p2 $0x1  }
0x17: {  	s4 =	simm.s32 $0x1BF5;
	[smem:$0x3FB5] =	sst s0  }
0x18: {  	s0 =	sld [smem:$0x3F98];
	_ =	swait.ge [sflag:s4], $0x0  }
0x19: {  	s7 =	sld [smem:$0x3F99]  }
0x1a: {  	s8 =	sadd.s32 $0xFFFFE003, lr  }
0x1b: {  	s9 =	sadd.s32 $0xFFFFFEF7, lr;
	s5 =	simm.s32 $0xFFFFFFFF;
	p2 =	slt.u32 s8, $0xFFFFF086  }
0x1c: {  	p1 =	slt.u32 s9, $0xF7A;
	s5 =	simm.s32 @!p2 $0x0  }
0x1d: {  	s5 =	simm.s32 @p1 $0x1;
	p0 =	seq.s32 s7, s2  }
0x1e: {  	s7 =	smul.u32 @!p0 $0xF7A, s2;
	p2 =	seq.s32 @!p0 s5, $0x0  }
0x1f: {  	s9 =	smul.u32 $0xF7A, s1;
	s8 =	simm.s32 @!p0 $0x1BF5;
	p2 =	por !p2, p0  }
0x20: {  	[sflag:s8] =	ssyncset.s32 @!p0 $0xFFFFF086;
	s6 =	sadd.s32 @!p0 s3, s7;
	s7 =	simm.s32 @!p0 $0x108  }
0x21: {  	s3 =	sadd.s32 s3, s9;
	s6 =	sadd.s32 @!p0 $0x88, s6;
	s7 =	simm.s32 @p2 $0x1082  }
0x22: {  	[simem:s7], [sflag:s8] =	dma.local @!p0 [hbm:s6], $0xF7A  }
0x23: {  	s9 =	sor.u32 $0xD0000000, s2;
	s6 =	simm.s32 $0x108;
	_ =	swait.ge @!p0 [sflag:s8], $0x0  }
0x24: {  	s3 =	sadd.s32 $0x88, s3;
	s6 =	simm.s32 @!p1 $0x1082;
	[sflag:s4] =	ssyncset.s32 $0xFFFFF086  }
0x25: {  	[simem:s6], [sflag:s4] =	dma.local [hbm:s3], $0xF7A  }
0x26: {  	[smem:$0x3F99] =	sst s1;
	(tag) =	ssettag s2;
	_ =	strace s9  }
0x27: {  	s1 =	sld [smem:$0x3FA9]  }
0x28: {  	s2 =	sld [smem:$0x3FAA]  }
0x29: {  	s4 =	sld [smem:$0x3FAC]  }
0x2a: {  	p0 =	seq.s32 s5, $0x0;
	s5 =	sld [smem:$0x3FAD]  }
0x2b: {  	s6 =	sld [smem:$0x3FAE]  }
0x2c: {  	s7 =	sld [smem:$0x3FAF]  }
0x2d: {  	s3 =	simm.s32 $0x108;
	s8 =	sld [smem:$0x3FB0]  }
0x2e: {  	s3 =	simm.s32 @!p0 $0x1082;
	s9 =	sld [smem:$0x3FB1]  }
0x2f: {  	lr =	sadd.s32 s0, s3;
	s0 =	sld [smem:$0x3FA8]  }
0x30: {  	s3 =	sld [smem:$0x3FAB]  }
0x31: {  	[smem:$0x3FB4] =	sst s10  }
0x32: {  	s10 =	sld [smem:$0x3FB2];
	_ =	sdelay $0x3  }
0x33: {  	p0 =	seq.s32 s10, $0x1;
	s10 =	sld [smem:$0x3FB4];
	_ =	sdelay $0x3  }
0x34: {  	[smem:$0x3FB4] =	sst s10  }
0x35: {  	s10 =	sld [smem:$0x3FB3];
	_ =	sdelay $0x3  }
0x36: {  	p1 =	seq.s32 s10, $0x1;
	s10 =	sld [smem:$0x3FB4];
	_ =	sdelay $0x3  }
0x37: {  	[smem:$0x3FB4] =	sst s10  }
0x38: {  	s10 =	sld [smem:$0x3FB5]  }
0x39: {  	_ = 	snop;
	(pc) =	sbr.ind lr, $3  }
0x3a: {  	_ = 	snop  }
0x3b: {  	_ = 	snop  }
0x3c: {  	p2 =	seq.s32 s10, $0x1;
	s10 =	sld [smem:$0x3FB4]  }
0x3d: {  	_ =	shalt  }
0x3e: {  	_ =	shalt  }
0x3f: {  	_ =	shalt  }
0x40: {  	_ =	shalt  }
0x41: {  	_ =	shalt  }
0x42: {  	_ =	shalt  }
0x43: {  	_ =	shalt  }
0x44: {  	_ =	shalt  }
0x45: {  	_ =	shalt  }
0x46: {  	_ =	shalt  }
0x47: {  	_ =	shalt  }
0x48: {  	_ =	shalt  }
0x49: {  	_ =	shalt  }
0x4a: {  	_ =	shalt  }
0x4b: {  	_ =	shalt  }
0x4c: {  	_ =	shalt  }
0x4d: {  	_ =	shalt  }
0x4e: {  	_ =	shalt  }
0x4f: {  	_ =	shalt  }
0x50: {  	_ =	shalt  }
0x51: {  	_ =	shalt  }
0x52: {  	_ =	shalt  }
0x53: {  	_ =	shalt  }
0x54: {  	_ =	shalt  }
0x55: {  	_ =	shalt  }
0x56: {  	_ =	shalt  }
0x57: {  	_ =	shalt  }
0x58: {  	_ =	shalt  }
0x59: {  	_ =	shalt  }
0x5a: {  	_ =	shalt  }
0x5b: {  	_ =	shalt  }
0x5c: {  	_ =	shalt  }
0x5d: {  	_ =	shalt  }
0x5e: {  	_ =	shalt  }
0x5f: {  	_ =	shalt  }
0x60: {  	_ =	shalt  }
0x61: {  	_ =	shalt  }
0x62: {  	_ =	shalt  }
0x63: {  	_ =	shalt  }
0x64: {  	_ =	shalt  }
0x65: {  	_ =	shalt  }
0x66: {  	_ =	shalt  }
0x67: {  	_ =	shalt  }
0x68: {  	_ =	shalt  }
0x69: {  	_ =	shalt  }
0x6a: {  	_ =	shalt  }
0x6b: {  	_ =	shalt  }
0x6c: {  	_ =	shalt  }
0x6d: {  	_ =	shalt  }
0x6e: {  	_ =	shalt  }
0x6f: {  	_ =	shalt  }
0x70: {  	_ =	shalt  }
0x71: {  	_ =	shalt  }
0x72: {  	_ =	shalt  }
0x73: {  	_ =	shalt  }
0x74: {  	_ =	shalt  }
0x75: {  	_ =	shalt  }
0x76: {  	_ =	shalt  }
0x77: {  	_ =	shalt  }
0x78: {  	_ =	shalt  }
0x79: {  	_ =	shalt  }
0x7a: {  	_ =	shalt  }
0x7b: {  	_ =	shalt  }
0x7c: {  	_ =	shalt  }
0x7d: {  	_ =	shalt  }
0x7e: {  	_ =	shalt  }
0x7f: {  	_ =	shalt  }
0x80: {  	_ =	shalt  }
0x81: {  	_ =	shalt  }
0x82: {  	_ =	shalt  }
0x83: {  	_ =	shalt  }
0x84: {  	_ =	shalt  }
0x85: {  	_ =	shalt  }
0x86: {  	_ =	shalt  }
0x87: {  	_ =	shalt  }
.Lfunc_end0:
.L_simem_size_0:
called_computation_lowered:
.L_overlay_start_0:
0x88: {  	s2 =	sld [smem:$0x3FD9]  }
0x89: {  	s3 =	sld [smem:$0x3FFE];
	_ =	sdelay $0x1  }
0x8a: {  	s1 =	srdreg.scid  }
0x8b: {  	s0 =	sand.u32 $0x1, s1  }
0x8c: {  	s17 =	sshll.u32 s0, $0xA;
	s2 =	sadd.s32 s3, s2  }
0x8d: {  	s2 =	sadd.s32 s2, s17  }
0x8e: {  	[smem:$0x3FC0] =	sst s2  }
0x8f: {  	_ = 	snop  }
0x90: {  	s2 =	sld [smem:$0x3FC7]  }
0x91: {  	s18 =	sld [smem:$0x3FD0];
	(tm) =	ssettm $0x1  }
0x92: {  	s4 =	sld [smem:$0x3FFB];
	_ =	sdelay $0x3  }
0x93: {  	_ =	strace s4  }
0x94: {  	s4 =	sld [smem:$0x3FFC];
	_ =	sdelay $0x3  }
0x95: {  	_ =	strace s4  }
0x96: {  	s4 =	sld [smem:$0x3FFD];
	_ =	sdelay $0x3  }
0x97: {  	_ =	strace s4  }
0x98: {  	_ =	strace $0x8FFFFFFF  }
0x99: {  	s19 =	sld [smem:$0x3FDB];
	_ =	sdelay $0x1  }
0x9a: {  	s5 =	simm.s32 $_scs_section_size  }
0x9b: {  	s6 =	simm.s32 $_size__tile_overlayer_lowered;
	s7 =	simm.s32 $_tile_overlayer_lowered  }
0x9c: {  	s22 =	simm.s32 $0x1BFF;
	s21 =	sshll.u32 s7, $0x1;
	s4 =	sadd.s32 s5, s19  }
0x9d: {  	s8 =	simm.s32 $0x0;
	s20 =	sshll.u32 s6, $0x1;
	s6 =	sadd.s32 s21, s4  }
0x9e: {  	[timem:s8], [sflag:s22] =	dma.local [hbm:s6], s20  }
0x9f: {  	_ =	swait.ge [sflag:s22], s20  }
0xa0: {  	s5 =	ssub.s32 $0x0, s20;
	[sflag:s22] =	ssyncset.done $0x0  }
0xa1: {  	[sflag:s22] =	ssyncadd.s32 s5;
	_ =	sdelay $0x1  }
0xa2: {  	s23 =	simm.s32 $0x1B8B  }
0xa3: {  	_ =	swait.ge [sflag:s23], $0x1  }
0xa4: {  	[sflag:s23] =	ssyncset.done $0x0  }
0xa5: {  	s25 =	simm.s32 $0x1B8E;
	s24 =	sld [smem:$0x3FFE];
	[sflag:s23] =	ssyncadd.s32 $0xFFFFFFFF  }
0xa6: {  	s26 =	simm.s32 $execute0_lowered;
	[smem:$0x3FD2] =	sst s25  }
0xa7: {  	s6 =	sshll.u32 s26, $0x1;
	_ =	strace $0x80000046;
	[dreg:$0x1] =	wrdreg $0xFFFFFFFF  }
0xa8: {  	s28 =	simm.s32 $_size_execute0_lowered;
	s4 =	sadd.s32 s4, s6;
	[dreg:$0x0] =	wrdreg $0x0  }
0xa9: {  	s6 =	sshll.u32 s28, $0x1;
	[dreg:$0x2] =	wrdreg s4  }
0xaa: {  	[dreg:$0x3] =	wrdreg s6  }
0xab: {  	[dreg:$0x4] =	wrdreg $0xC0  }
0xac: {  	_ =	task [dreg:s8], $0x5FFFF  }
0xad: {  	[dreg:$0x1] =	wrdreg $0xFFFFFFFF  }
0xae: {  	[dreg:$0x0] =	wrdreg $0x60  }
0xaf: {  	[dreg:$0x2] =	wrdreg s18  }
0xb0: {  	[dreg:$0x3] =	wrdreg s2  }
0xb1: {  	[dreg:$0x4] =	wrdreg s24  }
0xb2: {  	[dreg:$0x5] =	wrdreg $0x9  }
0xb3: {  	_ =	task.clear_ibuf [dreg:s8], $0x6FFFF;
	_ =	strace $0x90000046  }
0xb4: {  	s29 =	simm.s32 $0x9;
	_ =	strace $0x80000048  }
0xb5: {  	_ =	swait.ge [sflag:s29], $0x1  }
0xb6: {  	[sflag:s29] =	ssyncadd.s32 $0xFFFFFFFF  }
0xb7: {  	_ =	strace $0x90000048  }
0xb8: {  	_ =	sfence  }
0xb9: {  	s30 =	sld [smem:$0x0];
	_ =	sdelay $0x2  }
0xba: {  	s31 =	sshll.u32 s1, $0xD;
	s1 =	sshrl.u32 s1, $0x2  }
0xbb: {  	s3 =	sand.u32 $0x4000, s31;
	s1 =	sadd.s32 s1, s30  }
0xbc: {  	s0 =	sor.u32 s3, s0;
	s1 =	sshll.u32 s1, $0x11  }
0xbd: {  	s0 =	sor.u32 s1, s0  }
0xbe: {  	s0 =	sadd.s32 $0x8F2B, s0  }
0xbf: {  	[sflag:s0] =	ssyncadd.remote.s32 $0x1  }
0xc0: {  	_ =	sfence.sel $0xFFFF  }
0xc1: {  	[dreg:$0x0] =	wrdreg $0xFFFFFFFF;
	(pc) =	sbr.abs _section_cstart, $3  }
0xc2: {  	[dreg:$0x1] =	wrdreg $0xFFFFFFFF  }
0xc3: {  	_ =	task.clear_ibuf [dreg:s8], $0x2FFFF;
	_ =	strace $0x9FFFFFFF  }
0xc4: {  	(tm) =	ssettm $0x7FFFFFFF  }
0xc5: {  	_ =	shalt  }
tec
execute0_lowered:
.L_overlay_start_1:
0x0: {  	(tag) =	ssettag $0x1  }
0x1: {  	s0 =	rddreg [dreg:$0x0]  }
0x2: {  	s1 =	srdreg.scid;
	s2 =	rddreg [dreg:$0x1]  }
0x3: {  	s6 =	stileid.u32;
	s4 =	rddreg [dreg:$0x2]  }
0x4: {  	s13 =	simm.s32 $0x5;
	s20 =	simm.s32 $0xF000;
	s12 =	simm.s32 $0x17800  }
0x5: {  	s14 =	simm.s32 $0x18000;
	s15 =	simm.s32 $0x18800;
	s16 =	simm.s32 $0x19000  }
0x6: {  	s17 =	simm.s32 $0x19800;
	s18 =	simm.s32 $0x1A000;
	s19 =	simm.s32 $0x1A800  }
0x7: {  	s21 =	simm.s32 $0x1B000;
	s22 =	simm.s32 $0x1B800;
	s23 =	simm.s32 $0x1C000  }
0x8: {  	s24 =	simm.s32 $0x1C800;
	s25 =	simm.s32 $0x1D000;
	s26 =	simm.s32 $0x1D800  }
0x9: {  	s28 =	simm.s32 $0x1;
	s1 =	sand.u32 $0x1, s1;
	s3 =	sshll.u32 s6, $0x1  }
0xa: {  	s29 =	simm.s32 $0x2;
	s6 =	smul.u32 $0x3200, s6;
	s5 =	sor.u32 s1, s3  }
0xb: {  	s3 =	simm.s32 $0x0;
	s7 =	ssub.s32 $0x2, s1;
	s1 =	smul.u32 $0x1900, s1  }
0xc: {  	s30 =	simm.s32 $0x3;
	s5 =	smul.u32 $0x1900, s5;
	[smem:$0x7FF] =	sst s3  }
0xd: {  	s4 =	sadd.s32 $0xC00, s4;
	s8 =	sshrl.u32 s7, $0x1;
	_ =	strace $0x80000047  }
0xe: {  	s7 =	ssub.s32 s7, s8;
	s1 =	sadd.s32 s1, s6;
	s5 =	sshrl.u32 s5, $0x3  }
0xf: {  	s6 =	sshrl.u32 s1, $0x3;
	s31 =	sor.u32 $0x50, s1;
	s1 =	sor.u32 $0xA0, s1  }
0x10: {  	s7 =	smax.u32 s7, $0x1;
	s5 =	sadd.s32 s0, s5;
	s9 =	smul.u32 $0x300, s6  }
0x11: {  	s11 =	sshrl.u32 s31, $0x3;
	s6 =	sadd.s32 $0x200, s2;
	s1 =	sshrl.u32 s1, $0x3  }
.Ltmp0:
0x12: {  	[dreg:$0x5] =	wrdreg s7;
	s7 =	simm.s32 $0x16000;
	(pc) =	sbr.rel .LBB2_1-.Ltmp0, $4  }
0x13: {  	[dreg:$0x4] =	wrdreg s5;
	s5 =	sadd.s32 $0x100, s2;
	s1 =	sadd.s32 s1, s0  }
0x14: {  	v2 =	vlaneseq.u32;
	s10 =	smul.u32 $0x300, s11;
	s0 =	sadd.s32 s11, s0;
	[dreg:$0x6] =	wrdreg s1  }
0x15: {  	vm0 =	vmmov $0xffff;
	v1 =	vshrl.u32 v2, $0x3;
	s11 =	simm.s32 $0x17000;
	s8 =	sadd.s32 s9, s4;
	[dreg:$0x7] =	wrdreg s0  }
0x16: {  	v0 =	vand.u32 $0x7, v2;
	v2 =	vor.u32 $0x8, v2;
	v1 =	vmul.u32 $0x8, v1;
	s9 =	simm.s32 $0x16800;
	s10 =	sadd.s32 s10, s4;
	s4 =	simm.s32 $0x0  }
.LBB2_5:
0x17: {  	_ =	swait.ge [sflag:s30], $0xF000  }
0x18: {  	[sflag:s30] =	ssyncset.done $0x0  }
0x19: {  	s1 =	simm.s32 $0x4;
	[sflag:s30] =	ssyncadd.s32 $0xFFFF1000  }
0x1a: {  	_ =	swait.ge [sflag:s1], $0xF000  }
0x1b: {  	s4 =	rddreg [dreg:$0x8]  }
0x1c: {  	s0 =	rddreg [dreg:$0x5];
	s4 =	sadd.s32 $0x1, s4  }
0x1d: {  	p0 =	sne.s32 s4, s0  }
.Ltmp1:
0x1e: {  	_ = 	snop;
	(pc) =	sbr.rel @!p0 .LBB2_6-.Ltmp1, $3  }
0x1f: {  	_ =	sdelay $0x1  }
0x20: {  	[sflag:s1] =	ssyncset.done $0x0  }
0x21: {  	[sflag:s1] =	ssyncadd.s32 $0xFFFF1000  }
.LBB2_1:
0x22: {  	[dreg:$0x8] =	wrdreg s4  }
0x23: {  	s0 =	rddreg [dreg:$0x4];
	s1 =	simm.s32 $0x1E000  }
0x24: {  	[tilespmem:s1], [sflag:$0x5] =	stream.linear.gather [hbm4b:s0+s3], $0x50, $0x38;
	[tilespmem:$0x1E100] =	vst v63  }
0x25: {  	_ =	swait.ge [sflag:s13], $0x50  }
0x26: {  	[sflag:s13] =	ssyncset.done $0x0  }
0x27: {  	[sflag:s13] =	ssyncadd.s32 $0xFFFFFFB0  }
0x28: {  	v3 =	vld [tilespmem:$0x1E000];
	_ =	sdelay $0x4  }
0x29: {  	v4 =	vshrl.u32 v3, $0x3  }
0x2a: {  	v4 =	vmul.u32 $0x30, v4  }
0x2b: {  	v3 =	vand.u32 $0x7, v3  }
0x2c: {  	v3 =	vor.u32 v3, v4  }
0x2d: {  	v4 =	vperm.xlane v3, v0;
	_ =	sdelay $0x1  }
0x2e: {  	v4 =	vadd.s32 v1, v4;
	_ =	sdelay $0x3  }
0x2f: {  	v3 =	vperm.xlane v3, v2  }
0x30: {  	[tilespmem:s3], [sflag:$0x1] =	stream.indirect_vreg.gather [hbm4b:s2+s3], $0x80, v4, vm0, $0xb8;
	[tilespmem:$0x1E100] =	vst v63  }
0x31: {  	s4 =	simm.s32 $0x800;
	v3 =	vadd.s32 v1, v3  }
0x32: {  	[tilespmem:s4], [sflag:$0x1] =	stream.indirect_vreg.gather [hbm4b:s5+s3], $0x80, v4, vm0, $0xb8;
	[tilespmem:$0x1E100] =	vst v63  }
0x33: {  	s1 =	simm.s32 $0x1000  }
0x34: {  	[tilespmem:s1], [sflag:$0x1] =	stream.indirect_vreg.gather [hbm4b:s6+s3], $0x80, v4, vm0, $0xb8;
	[tilespmem:$0x1E100] =	vst v63  }
0x35: {  	s4 =	simm.s32 $0x1800  }
0x36: {  	[tilespmem:s4], [sflag:$0x1] =	stream.indirect_vreg.gather [hbm4b:s2+s3], $0x80, v3, vm0, $0xb8;
	[tilespmem:$0x1E100] =	vst v63  }
0x37: {  	s1 =	simm.s32 $0x2000  }
0x38: {  	[tilespmem:s1], [sflag:$0x1] =	stream.indirect_vreg.gather [hbm4b:s5+s3], $0x80, v3, vm0, $0xb8;
	[tilespmem:$0x1E100] =	vst v63  }
0x39: {  	s4 =	simm.s32 $0x2800  }
0x3a: {  	[tilespmem:s4], [sflag:$0x1] =	stream.indirect_vreg.gather [hbm4b:s6+s3], $0x80, v3, vm0, $0xb8;
	[tilespmem:$0x1E100] =	vst v63  }
0x3b: {  	v3 =	vld [tilespmem:$0x1E010];
	_ =	sdelay $0x4  }
0x3c: {  	v60 =	vshrl.u32 v3, $0x3  }
0x3d: {  	v4 =	vmul.u32 $0x30, v60  }
0x3e: {  	v3 =	vand.u32 $0x7, v3  }
0x3f: {  	v3 =	vor.u32 v3, v4  }
0x40: {  	v4 =	vperm.xlane v3, v0;
	_ =	sdelay $0x1  }
0x41: {  	v4 =	vadd.s32 v1, v4;
	_ =	sdelay $0x3  }
0x42: {  	s1 =	simm.s32 $0x3000;
	v3 =	vperm.xlane v3, v2  }
0x43: {  	[tilespmem:s1], [sflag:$0x1] =	stream.indirect_vreg.gather [hbm4b:s2+s3], $0x80, v4, vm0, $0xb8;
	[tilespmem:$0x1E100] =	vst v63  }
0x44: {  	s4 =	simm.s32 $0x3800;
	v3 =	vadd.s32 v1, v3  }
0x45: {  	[tilespmem:s4], [sflag:$0x1] =	stream.indirect_vreg.gather [hbm4b:s5+s3], $0x80, v4, vm0, $0xb8;
	[tilespmem:$0x1E100] =	vst v63  }
0x46: {  	s1 =	simm.s32 $0x4000  }
0x47: {  	[tilespmem:s1], [sflag:$0x1] =	stream.indirect_vreg.gather [hbm4b:s6+s3], $0x80, v4, vm0, $0xb8;
	[tilespmem:$0x1E100] =	vst v63  }
0x48: {  	s4 =	simm.s32 $0x4800  }
0x49: {  	[tilespmem:s4], [sflag:$0x1] =	stream.indirect_vreg.gather [hbm4b:s2+s3], $0x80, v3, vm0, $0xb8;
	[tilespmem:$0x1E100] =	vst v63  }
0x4a: {  	s1 =	simm.s32 $0x5000  }
0x4b: {  	[tilespmem:s1], [sflag:$0x1] =	stream.indirect_vreg.gather [hbm4b:s5+s3], $0x80, v3, vm0, $0xb8;
	[tilespmem:$0x1E100] =	vst v63  }
0x4c: {  	s4 =	simm.s32 $0x5800  }
0x4d: {  	[tilespmem:s4], [sflag:$0x1] =	stream.indirect_vreg.gather [hbm4b:s6+s3], $0x80, v3, vm0, $0xb8;
	[tilespmem:$0x1E100] =	vst v63  }
0x4e: {  	v3 =	vld [tilespmem:$0x1E020];
	_ =	sdelay $0x4  }
0x4f: {  	v61 =	vshrl.u32 v3, $0x3  }
0x50: {  	v4 =	vmul.u32 $0x30, v61  }
0x51: {  	v3 =	vand.u32 $0x7, v3  }
0x52: {  	v3 =	vor.u32 v3, v4  }
0x53: {  	v4 =	vperm.xlane v3, v0;
	_ =	sdelay $0x1  }
0x54: {  	v4 =	vadd.s32 v1, v4;
	_ =	sdelay $0x3  }
0x55: {  	s1 =	simm.s32 $0x6000;
	v3 =	vperm.xlane v3, v2  }
0x56: {  	[tilespmem:s1], [sflag:$0x1] =	stream.indirect_vreg.gather [hbm4b:s2+s3], $0x80, v4, vm0, $0xb8;
	[tilespmem:$0x1E100] =	vst v63  }
0x57: {  	s4 =	simm.s32 $0x6800;
	v3 =	vadd.s32 v1, v3  }
0x58: {  	[tilespmem:s4], [sflag:$0x1] =	stream.indirect_vreg.gather [hbm4b:s5+s3], $0x80, v4, vm0, $0xb8;
	[tilespmem:$0x1E100] =	vst v63  }
0x59: {  	s1 =	simm.s32 $0x7000  }
0x5a: {  	[tilespmem:s1], [sflag:$0x1] =	stream.indirect_vreg.gather [hbm4b:s6+s3], $0x80, v4, vm0, $0xb8;
	[tilespmem:$0x1E100] =	vst v63  }
0x5b: {  	s4 =	simm.s32 $0x7800  }
0x5c: {  	[tilespmem:s4], [sflag:$0x1] =	stream.indirect_vreg.gather [hbm4b:s2+s3], $0x80, v3, vm0, $0xb8;
	[tilespmem:$0x1E100] =	vst v63  }
0x5d: {  	s1 =	simm.s32 $0x8000  }
0x5e: {  	[tilespmem:s1], [sflag:$0x1] =	stream.indirect_vreg.gather [hbm4b:s5+s3], $0x80, v3, vm0, $0xb8;
	[tilespmem:$0x1E100] =	vst v63  }
0x5f: {  	s4 =	simm.s32 $0x8800  }
0x60: {  	[tilespmem:s4], [sflag:$0x1] =	stream.indirect_vreg.gather [hbm4b:s6+s3], $0x80, v3, vm0, $0xb8;
	[tilespmem:$0x1E100] =	vst v63  }
0x61: {  	v3 =	vld [tilespmem:$0x1E030];
	_ =	sdelay $0x4  }
0x62: {  	v62 =	vshrl.u32 v3, $0x3  }
0x63: {  	v4 =	vmul.u32 $0x30, v62  }
0x64: {  	v3 =	vand.u32 $0x7, v3  }
0x65: {  	v3 =	vor.u32 v3, v4  }
0x66: {  	v4 =	vperm.xlane v3, v0;
	_ =	sdelay $0x1  }
0x67: {  	v4 =	vadd.s32 v1, v4;
	_ =	sdelay $0x3  }
0x68: {  	s1 =	simm.s32 $0x9000;
	v3 =	vperm.xlane v3, v2  }
0x69: {  	[tilespmem:s1], [sflag:$0x1] =	stream.indirect_vreg.gather [hbm4b:s2+s3], $0x80, v4, vm0, $0xb8;
	[tilespmem:$0x1E100] =	vst v63  }
0x6a: {  	s4 =	simm.s32 $0x9800;
	v3 =	vadd.s32 v1, v3  }
0x6b: {  	[tilespmem:s4], [sflag:$0x1] =	stream.indirect_vreg.gather [hbm4b:s5+s3], $0x80, v4, vm0, $0xb8;
	[tilespmem:$0x1E100] =	vst v63  }
0x6c: {  	s1 =	simm.s32 $0xA000  }
0x6d: {  	[tilespmem:s1], [sflag:$0x1] =	stream.indirect_vreg.gather [hbm4b:s6+s3], $0x80, v4, vm0, $0xb8;
	[tilespmem:$0x1E100] =	vst v63  }
0x6e: {  	s4 =	simm.s32 $0xA800  }
0x6f: {  	[tilespmem:s4], [sflag:$0x1] =	stream.indirect_vreg.gather [hbm4b:s2+s3], $0x80, v3, vm0, $0xb8;
	[tilespmem:$0x1E100] =	vst v63  }
0x70: {  	s1 =	simm.s32 $0xB000  }
0x71: {  	[tilespmem:s1], [sflag:$0x1] =	stream.indirect_vreg.gather [hbm4b:s5+s3], $0x80, v3, vm0, $0xb8;
	[tilespmem:$0x1E100] =	vst v63  }
0x72: {  	s4 =	simm.s32 $0xB800  }
0x73: {  	[tilespmem:s4], [sflag:$0x1] =	stream.indirect_vreg.gather [hbm4b:s6+s3], $0x80, v3, vm0, $0xb8;
	[tilespmem:$0x1E100] =	vst v63  }
0x74: {  	v3 =	vld [tilespmem:$0x1E040];
	_ =	sdelay $0x4  }
0x75: {  	v63 =	vshrl.u32 v3, $0x3  }
0x76: {  	v4 =	vmul.u32 $0x30, v63  }
0x77: {  	v3 =	vand.u32 $0x7, v3  }
0x78: {  	v3 =	vor.u32 v3, v4  }
0x79: {  	v4 =	vperm.xlane v3, v0;
	_ =	sdelay $0x1  }
0x7a: {  	v4 =	vadd.s32 v1, v4;
	_ =	sdelay $0x3  }
0x7b: {  	s1 =	simm.s32 $0xC000;
	v3 =	vperm.xlane v3, v2  }
0x7c: {  	[tilespmem:s1], [sflag:$0x1] =	stream.indirect_vreg.gather [hbm4b:s2+s3], $0x80, v4, vm0, $0xb8;
	[tilespmem:$0x1E100] =	vst v63  }
0x7d: {  	s4 =	simm.s32 $0xC800;
	v3 =	vadd.s32 v1, v3  }
0x7e: {  	[tilespmem:s4], [sflag:$0x1] =	stream.indirect_vreg.gather [hbm4b:s5+s3], $0x80, v4, vm0, $0xb8;
	[tilespmem:$0x1E100] =	vst v63  }
0x7f: {  	s1 =	simm.s32 $0xD000  }
0x80: {  	[tilespmem:s1], [sflag:$0x1] =	stream.indirect_vreg.gather [hbm4b:s6+s3], $0x80, v4, vm0, $0xb8;
	[tilespmem:$0x1E100] =	vst v63  }
0x81: {  	s4 =	simm.s32 $0xD800  }
0x82: {  	[tilespmem:s4], [sflag:$0x1] =	stream.indirect_vreg.gather [hbm4b:s2+s3], $0x80, v3, vm0, $0xb8;
	[tilespmem:$0x1E100] =	vst v63  }
.Ltmp2:
0x83: {  	_ = 	snop;
	(pc) =	sbr.rel .LBB2_2-.Ltmp2, $4  }
0x84: {  	s31 =	rddreg [dreg:$0x7];
	s1 =	simm.s32 $0xE000  }
0x85: {  	[tilespmem:s1], [sflag:$0x1] =	stream.indirect_vreg.gather [hbm4b:s5+s3], $0x80, v3, vm0, $0xb8;
	[tilespmem:$0x1E100] =	vst v63  }
0x86: {  	s0 =	simm.s32 $0x0;
	s4 =	simm.s32 $0xE800;
	s1 =	rddreg [dreg:$0x6]  }
0x87: {  	[tilespmem:s4], [sflag:$0x1] =	stream.indirect_vreg.gather [hbm4b:s6+s3], $0x80, v3, vm0, $0xb8;
	[tilespmem:$0x1E100] =	vst v63  }
.LBB2_4:
0x88: {  	s4 =	sadd.s32 s0, s10;
	s0 =	sadd.s32 $0x3C00, s0  }
0x89: {  	p0 =	sne.s32 s0, $0x96000  }
.Ltmp3:
0x8a: {  	_ = 	snop;
	(pc) =	sbr.rel @!p0 .LBB2_5-.Ltmp3, $4  }
0x8b: {  	_ =	swait.ge [sflag:s29], $0xF000  }
0x8c: {  	[sflag:s29] =	ssyncset.done $0x0  }
0x8d: {  	s1 =	sadd.s32 $0x14, s1;
	s31 =	sadd.s32 $0x14, s31;
	[sflag:s29] =	ssyncadd.s32 $0xFFFF1000  }
0x8e: {  	[hbm4b:s4+s3] =	stream.linear.scatter [tilespmem:s20], [sflag:$0x4], $0xF000, $0x38;
	[tilespmem:$0x1E100] =	vst v63  }
.LBB2_2:
0x8f: {  	p0 =	seq.s32 s0, $0x0  }
0x90: {  	s4 =	simm.s32 @!p0 $0x4  }
0x91: {  	_ =	swait.ge @!p0 [sflag:s4], $0xF000  }
0x92: {  	[sflag:s4] =	ssyncset.done @!p0 $0x0  }
0x93: {  	[sflag:s4] =	ssyncadd.s32 @!p0 $0xFFFF1000;
	s4 =	simm.s32 $0x1E080  }
0x94: {  	[tilespmem:s4], [sflag:$0x5] =	stream.linear.gather [hbm4b:s31+s3], $0x50, $0x38;
	[tilespmem:$0x1E100] =	vst v63  }
0x95: {  	_ =	swait.ge [sflag:s13], $0x50  }
0x96: {  	[sflag:s13] =	ssyncset.done $0x0  }
0x97: {  	[sflag:s13] =	ssyncadd.s32 $0xFFFFFFB0  }
0x98: {  	v3 =	vld [tilespmem:$0x1E080];
	_ =	sdelay $0x4  }
0x99: {  	v4 =	vshrl.u32 v3, $0x3  }
0x9a: {  	v4 =	vmul.u32 $0x30, v4  }
0x9b: {  	v3 =	vand.u32 $0x7, v3  }
0x9c: {  	v3 =	vor.u32 v3, v4  }
0x9d: {  	v4 =	vperm.xlane v3, v0;
	_ =	sdelay $0x1  }
0x9e: {  	v4 =	vadd.s32 v1, v4;
	_ =	sdelay $0x3  }
0x9f: {  	v3 =	vperm.xlane v3, v2  }
0xa0: {  	[tilespmem:s20], [sflag:$0x2] =	stream.indirect_vreg.gather [hbm4b:s2+s3], $0x80, v4, vm0, $0xb8;
	[tilespmem:$0x1E100] =	vst v63  }
0xa1: {  	s4 =	simm.s32 $0xF800;
	v3 =	vadd.s32 v1, v3  }
0xa2: {  	[tilespmem:s4], [sflag:$0x2] =	stream.indirect_vreg.gather [hbm4b:s5+s3], $0x80, v4, vm0, $0xb8;
	[tilespmem:$0x1E100] =	vst v63  }
0xa3: {  	s4 =	simm.s32 $0x10000  }
0xa4: {  	[tilespmem:s4], [sflag:$0x2] =	stream.indirect_vreg.gather [hbm4b:s6+s3], $0x80, v4, vm0, $0xb8;
	[tilespmem:$0x1E100] =	vst v63  }
0xa5: {  	s4 =	simm.s32 $0x10800  }
0xa6: {  	[tilespmem:s4], [sflag:$0x2] =	stream.indirect_vreg.gather [hbm4b:s2+s3], $0x80, v3, vm0, $0xb8;
	[tilespmem:$0x1E100] =	vst v63  }
0xa7: {  	s4 =	simm.s32 $0x11000  }
0xa8: {  	[tilespmem:s4], [sflag:$0x2] =	stream.indirect_vreg.gather [hbm4b:s5+s3], $0x80, v3, vm0, $0xb8;
	[tilespmem:$0x1E100] =	vst v63  }
0xa9: {  	s4 =	simm.s32 $0x11800  }
0xaa: {  	[tilespmem:s4], [sflag:$0x2] =	stream.indirect_vreg.gather [hbm4b:s6+s3], $0x80, v3, vm0, $0xb8;
	[tilespmem:$0x1E100] =	vst v63  }
0xab: {  	v3 =	vld [tilespmem:$0x1E090];
	_ =	sdelay $0x4  }
0xac: {  	v60 =	vshrl.u32 v3, $0x3  }
0xad: {  	v4 =	vmul.u32 $0x30, v60  }
0xae: {  	v3 =	vand.u32 $0x7, v3  }
0xaf: {  	v3 =	vor.u32 v3, v4  }
0xb0: {  	v4 =	vperm.xlane v3, v0;
	_ =	sdelay $0x1  }
0xb1: {  	v4 =	vadd.s32 v1, v4;
	_ =	sdelay $0x3  }
0xb2: {  	s4 =	simm.s32 $0x12000;
	v3 =	vperm.xlane v3, v2  }
0xb3: {  	[tilespmem:s4], [sflag:$0x2] =	stream.indirect_vreg.gather [hbm4b:s2+s3], $0x80, v4, vm0, $0xb8;
	[tilespmem:$0x1E100] =	vst v63  }
0xb4: {  	v3 =	vadd.s32 v1, v3;
	s4 =	simm.s32 $0x12800  }
0xb5: {  	[tilespmem:s4], [sflag:$0x2] =	stream.indirect_vreg.gather [hbm4b:s5+s3], $0x80, v4, vm0, $0xb8;
	[tilespmem:$0x1E100] =	vst v63  }
0xb6: {  	s4 =	simm.s32 $0x13000  }
0xb7: {  	[tilespmem:s4], [sflag:$0x2] =	stream.indirect_vreg.gather [hbm4b:s6+s3], $0x80, v4, vm0, $0xb8;
	[tilespmem:$0x1E100] =	vst v63  }
0xb8: {  	s4 =	simm.s32 $0x13800  }
0xb9: {  	[tilespmem:s4], [sflag:$0x2] =	stream.indirect_vreg.gather [hbm4b:s2+s3], $0x80, v3, vm0, $0xb8;
	[tilespmem:$0x1E100] =	vst v63  }
0xba: {  	s4 =	simm.s32 $0x14000  }
0xbb: {  	[tilespmem:s4], [sflag:$0x2] =	stream.indirect_vreg.gather [hbm4b:s5+s3], $0x80, v3, vm0, $0xb8;
	[tilespmem:$0x1E100] =	vst v63  }
0xbc: {  	s4 =	simm.s32 $0x14800  }
0xbd: {  	[tilespmem:s4], [sflag:$0x2] =	stream.indirect_vreg.gather [hbm4b:s6+s3], $0x80, v3, vm0, $0xb8;
	[tilespmem:$0x1E100] =	vst v63  }
0xbe: {  	v3 =	vld [tilespmem:$0x1E0A0];
	_ =	sdelay $0x4  }
0xbf: {  	v61 =	vshrl.u32 v3, $0x3  }
0xc0: {  	v4 =	vmul.u32 $0x30, v61  }
0xc1: {  	v3 =	vand.u32 $0x7, v3  }
0xc2: {  	v3 =	vor.u32 v3, v4  }
0xc3: {  	v4 =	vperm.xlane v3, v0;
	_ =	sdelay $0x1  }
0xc4: {  	v4 =	vadd.s32 v1, v4;
	_ =	sdelay $0x3  }
0xc5: {  	s4 =	simm.s32 $0x15000;
	v3 =	vperm.xlane v3, v2  }
0xc6: {  	[tilespmem:s4], [sflag:$0x2] =	stream.indirect_vreg.gather [hbm4b:s2+s3], $0x80, v4, vm0, $0xb8;
	[tilespmem:$0x1E100] =	vst v63  }
0xc7: {  	v3 =	vadd.s32 v1, v3;
	s4 =	simm.s32 $0x15800  }
0xc8: {  	[tilespmem:s4], [sflag:$0x2] =	stream.indirect_vreg.gather [hbm4b:s5+s3], $0x80, v4, vm0, $0xb8;
	[tilespmem:$0x1E100] =	vst v63  }
0xc9: {  	_ = 	snop  }
0xca: {  	[tilespmem:s7], [sflag:$0x2] =	stream.indirect_vreg.gather [hbm4b:s6+s3], $0x80, v4, vm0, $0xb8;
	[tilespmem:$0x1E100] =	vst v63  }
0xcb: {  	_ = 	snop  }
0xcc: {  	[tilespmem:s9], [sflag:$0x2] =	stream.indirect_vreg.gather [hbm4b:s2+s3], $0x80, v3, vm0, $0xb8;
	[tilespmem:$0x1E100] =	vst v63  }
0xcd: {  	_ = 	snop  }
0xce: {  	[tilespmem:s11], [sflag:$0x2] =	stream.indirect_vreg.gather [hbm4b:s5+s3], $0x80, v3, vm0, $0xb8;
	[tilespmem:$0x1E100] =	vst v63  }
0xcf: {  	_ = 	snop  }
0xd0: {  	[tilespmem:s12], [sflag:$0x2] =	stream.indirect_vreg.gather [hbm4b:s6+s3], $0x80, v3, vm0, $0xb8;
	[tilespmem:$0x1E100] =	vst v63  }
0xd1: {  	v3 =	vld [tilespmem:$0x1E0B0];
	_ =	sdelay $0x4  }
0xd2: {  	v62 =	vshrl.u32 v3, $0x3  }
0xd3: {  	v4 =	vmul.u32 $0x30, v62  }
0xd4: {  	v3 =	vand.u32 $0x7, v3  }
0xd5: {  	v3 =	vor.u32 v3, v4  }
0xd6: {  	v4 =	vperm.xlane v3, v0;
	_ =	sdelay $0x1  }
0xd7: {  	v4 =	vadd.s32 v1, v4;
	_ =	sdelay $0x3  }
0xd8: {  	v3 =	vperm.xlane v3, v2  }
0xd9: {  	[tilespmem:s14], [sflag:$0x2] =	stream.indirect_vreg.gather [hbm4b:s2+s3], $0x80, v4, vm0, $0xb8;
	[tilespmem:$0x1E100] =	vst v63  }
0xda: {  	v3 =	vadd.s32 v1, v3  }
0xdb: {  	[tilespmem:s15], [sflag:$0x2] =	stream.indirect_vreg.gather [hbm4b:s5+s3], $0x80, v4, vm0, $0xb8;
	[tilespmem:$0x1E100] =	vst v63  }
0xdc: {  	_ = 	snop  }
0xdd: {  	[tilespmem:s16], [sflag:$0x2] =	stream.indirect_vreg.gather [hbm4b:s6+s3], $0x80, v4, vm0, $0xb8;
	[tilespmem:$0x1E100] =	vst v63  }
0xde: {  	_ = 	snop  }
0xdf: {  	[tilespmem:s17], [sflag:$0x2] =	stream.indirect_vreg.gather [hbm4b:s2+s3], $0x80, v3, vm0, $0xb8;
	[tilespmem:$0x1E100] =	vst v63  }
0xe0: {  	_ = 	snop  }
0xe1: {  	[tilespmem:s18], [sflag:$0x2] =	stream.indirect_vreg.gather [hbm4b:s5+s3], $0x80, v3, vm0, $0xb8;
	[tilespmem:$0x1E100] =	vst v63  }
0xe2: {  	_ = 	snop  }
0xe3: {  	[tilespmem:s19], [sflag:$0x2] =	stream.indirect_vreg.gather [hbm4b:s6+s3], $0x80, v3, vm0, $0xb8;
	[tilespmem:$0x1E100] =	vst v63  }
0xe4: {  	v3 =	vld [tilespmem:$0x1E0C0];
	_ =	sdelay $0x4  }
0xe5: {  	v63 =	vshrl.u32 v3, $0x3  }
0xe6: {  	v4 =	vmul.u32 $0x30, v63  }
0xe7: {  	v3 =	vand.u32 $0x7, v3  }
0xe8: {  	v3 =	vor.u32 v3, v4  }
0xe9: {  	v4 =	vperm.xlane v3, v0;
	_ =	sdelay $0x1  }
0xea: {  	v4 =	vadd.s32 v1, v4;
	_ =	sdelay $0x3  }
0xeb: {  	v3 =	vperm.xlane v3, v2  }
0xec: {  	[tilespmem:s21], [sflag:$0x2] =	stream.indirect_vreg.gather [hbm4b:s2+s3], $0x80, v4, vm0, $0xb8;
	[tilespmem:$0x1E100] =	vst v63  }
0xed: {  	v3 =	vadd.s32 v1, v3  }
0xee: {  	[tilespmem:s22], [sflag:$0x2] =	stream.indirect_vreg.gather [hbm4b:s5+s3], $0x80, v4, vm0, $0xb8;
	[tilespmem:$0x1E100] =	vst v63  }
0xef: {  	_ = 	snop  }
0xf0: {  	[tilespmem:s23], [sflag:$0x2] =	stream.indirect_vreg.gather [hbm4b:s6+s3], $0x80, v4, vm0, $0xb8;
	[tilespmem:$0x1E100] =	vst v63  }
0xf1: {  	_ = 	snop  }
0xf2: {  	[tilespmem:s24], [sflag:$0x2] =	stream.indirect_vreg.gather [hbm4b:s2+s3], $0x80, v3, vm0, $0xb8;
	[tilespmem:$0x1E100] =	vst v63  }
0xf3: {  	_ = 	snop  }
0xf4: {  	[tilespmem:s25], [sflag:$0x2] =	stream.indirect_vreg.gather [hbm4b:s5+s3], $0x80, v3, vm0, $0xb8;
	[tilespmem:$0x1E100] =	vst v63  }
0xf5: {  	p0 =	seq.s32 s0, $0x92400  }
0xf6: {  	[tilespmem:s26], [sflag:$0x2] =	stream.indirect_vreg.gather [hbm4b:s6+s3], $0x80, v3, vm0, $0xb8;
	[tilespmem:$0x1E100] =	vst v63  }
.Ltmp4:
0xf7: {  	_ = 	snop;
	(pc) =	sbr.rel @p0 .LBB2_4-.Ltmp4, $4  }
0xf8: {  	_ =	swait.ge [sflag:s28], $0xF000  }
0xf9: {  	[sflag:s28] =	ssyncset.done $0x0  }
0xfa: {  	s4 =	sadd.s32 s0, s8;
	[sflag:s28] =	ssyncadd.s32 $0xFFFF1000  }
0xfb: {  	[hbm4b:s4+s3] =	stream.linear.scatter [tilespmem:s3], [sflag:$0x3], $0xF000, $0x38;
	[tilespmem:$0x1E100] =	vst v63  }
0xfc: {  	_ =	swait.ge [sflag:s30], $0xF000  }
0xfd: {  	[sflag:s30] =	ssyncset.done $0x0  }
0xfe: {  	s4 =	simm.s32 $0x1E000;
	[sflag:s30] =	ssyncadd.s32 $0xFFFF1000  }
0xff: {  	[tilespmem:s4], [sflag:$0x5] =	stream.linear.gather [hbm4b:s1+s3], $0x50, $0x38;
	[tilespmem:$0x1E100] =	vst v63  }
0x100: {  	_ =	swait.ge [sflag:s13], $0x50  }
0x101: {  	[sflag:s13] =	ssyncset.done $0x0  }
0x102: {  	[sflag:s13] =	ssyncadd.s32 $0xFFFFFFB0  }
0x103: {  	v3 =	vld [tilespmem:$0x1E000];
	_ =	sdelay $0x4  }
0x104: {  	v4 =	vshrl.u32 v3, $0x3  }
0x105: {  	v4 =	vmul.u32 $0x30, v4  }
0x106: {  	v3 =	vand.u32 $0x7, v3  }
0x107: {  	v3 =	vor.u32 v3, v4  }
0x108: {  	v4 =	vperm.xlane v3, v0;
	_ =	sdelay $0x1  }
0x109: {  	v4 =	vadd.s32 v1, v4;
	_ =	sdelay $0x3  }
0x10a: {  	v3 =	vperm.xlane v3, v2  }
0x10b: {  	[tilespmem:s3], [sflag:$0x1] =	stream.indirect_vreg.gather [hbm4b:s2+s3], $0x80, v4, vm0, $0xb8;
	[tilespmem:$0x1E100] =	vst v63  }
0x10c: {  	s4 =	simm.s32 $0x800;
	v3 =	vadd.s32 v1, v3  }
0x10d: {  	[tilespmem:s4], [sflag:$0x1] =	stream.indirect_vreg.gather [hbm4b:s5+s3], $0x80, v4, vm0, $0xb8;
	[tilespmem:$0x1E100] =	vst v63  }
0x10e: {  	s4 =	simm.s32 $0x1000  }
0x10f: {  	[tilespmem:s4], [sflag:$0x1] =	stream.indirect_vreg.gather [hbm4b:s6+s3], $0x80, v4, vm0, $0xb8;
	[tilespmem:$0x1E100] =	vst v63  }
0x110: {  	s4 =	simm.s32 $0x1800  }
0x111: {  	[tilespmem:s4], [sflag:$0x1] =	stream.indirect_vreg.gather [hbm4b:s2+s3], $0x80, v3, vm0, $0xb8;
	[tilespmem:$0x1E100] =	vst v63  }
0x112: {  	s4 =	simm.s32 $0x2000  }
0x113: {  	[tilespmem:s4], [sflag:$0x1] =	stream.indirect_vreg.gather [hbm4b:s5+s3], $0x80, v3, vm0, $0xb8;
	[tilespmem:$0x1E100] =	vst v63  }
0x114: {  	s4 =	simm.s32 $0x2800  }
0x115: {  	[tilespmem:s4], [sflag:$0x1] =	stream.indirect_vreg.gather [hbm4b:s6+s3], $0x80, v3, vm0, $0xb8;
	[tilespmem:$0x1E100] =	vst v63  }
0x116: {  	v3 =	vld [tilespmem:$0x1E010];
	_ =	sdelay $0x4  }
0x117: {  	v60 =	vshrl.u32 v3, $0x3  }
0x118: {  	v4 =	vmul.u32 $0x30, v60  }
0x119: {  	v3 =	vand.u32 $0x7, v3  }
0x11a: {  	v3 =	vor.u32 v3, v4  }
0x11b: {  	v4 =	vperm.xlane v3, v0;
	_ =	sdelay $0x1  }
0x11c: {  	v4 =	vadd.s32 v1, v4;
	_ =	sdelay $0x3  }
0x11d: {  	s4 =	simm.s32 $0x3000;
	v3 =	vperm.xlane v3, v2  }
0x11e: {  	[tilespmem:s4], [sflag:$0x1] =	stream.indirect_vreg.gather [hbm4b:s2+s3], $0x80, v4, vm0, $0xb8;
	[tilespmem:$0x1E100] =	vst v63  }
0x11f: {  	v3 =	vadd.s32 v1, v3;
	s4 =	simm.s32 $0x3800  }
0x120: {  	[tilespmem:s4], [sflag:$0x1] =	stream.indirect_vreg.gather [hbm4b:s5+s3], $0x80, v4, vm0, $0xb8;
	[tilespmem:$0x1E100] =	vst v63  }
0x121: {  	s4 =	simm.s32 $0x4000  }
0x122: {  	[tilespmem:s4], [sflag:$0x1] =	stream.indirect_vreg.gather [hbm4b:s6+s3], $0x80, v4, vm0, $0xb8;
	[tilespmem:$0x1E100] =	vst v63  }
0x123: {  	s4 =	simm.s32 $0x4800  }
0x124: {  	[tilespmem:s4], [sflag:$0x1] =	stream.indirect_vreg.gather [hbm4b:s2+s3], $0x80, v3, vm0, $0xb8;
	[tilespmem:$0x1E100] =	vst v63  }
0x125: {  	s4 =	simm.s32 $0x5000  }
0x126: {  	[tilespmem:s4], [sflag:$0x1] =	stream.indirect_vreg.gather [hbm4b:s5+s3], $0x80, v3, vm0, $0xb8;
	[tilespmem:$0x1E100] =	vst v63  }
0x127: {  	s4 =	simm.s32 $0x5800  }
0x128: {  	[tilespmem:s4], [sflag:$0x1] =	stream.indirect_vreg.gather [hbm4b:s6+s3], $0x80, v3, vm0, $0xb8;
	[tilespmem:$0x1E100] =	vst v63  }
0x129: {  	v3 =	vld [tilespmem:$0x1E020];
	_ =	sdelay $0x4  }
0x12a: {  	v61 =	vshrl.u32 v3, $0x3  }
0x12b: {  	v4 =	vmul.u32 $0x30, v61  }
0x12c: {  	v3 =	vand.u32 $0x7, v3  }
0x12d: {  	v3 =	vor.u32 v3, v4  }
0x12e: {  	v4 =	vperm.xlane v3, v0;
	_ =	sdelay $0x1  }
0x12f: {  	v4 =	vadd.s32 v1, v4;
	_ =	sdelay $0x3  }
0x130: {  	s4 =	simm.s32 $0x6000;
	v3 =	vperm.xlane v3, v2  }
0x131: {  	[tilespmem:s4], [sflag:$0x1] =	stream.indirect_vreg.gather [hbm4b:s2+s3], $0x80, v4, vm0, $0xb8;
	[tilespmem:$0x1E100] =	vst v63  }
0x132: {  	v3 =	vadd.s32 v1, v3;
	s4 =	simm.s32 $0x6800  }
0x133: {  	[tilespmem:s4], [sflag:$0x1] =	stream.indirect_vreg.gather [hbm4b:s5+s3], $0x80, v4, vm0, $0xb8;
	[tilespmem:$0x1E100] =	vst v63  }
0x134: {  	s4 =	simm.s32 $0x7000  }
0x135: {  	[tilespmem:s4], [sflag:$0x1] =	stream.indirect_vreg.gather [hbm4b:s6+s3], $0x80, v4, vm0, $0xb8;
	[tilespmem:$0x1E100] =	vst v63  }
0x136: {  	s4 =	simm.s32 $0x7800  }
0x137: {  	[tilespmem:s4], [sflag:$0x1] =	stream.indirect_vreg.gather [hbm4b:s2+s3], $0x80, v3, vm0, $0xb8;
	[tilespmem:$0x1E100] =	vst v63  }
0x138: {  	s4 =	simm.s32 $0x8000  }
0x139: {  	[tilespmem:s4], [sflag:$0x1] =	stream.indirect_vreg.gather [hbm4b:s5+s3], $0x80, v3, vm0, $0xb8;
	[tilespmem:$0x1E100] =	vst v63  }
0x13a: {  	s4 =	simm.s32 $0x8800  }
0x13b: {  	[tilespmem:s4], [sflag:$0x1] =	stream.indirect_vreg.gather [hbm4b:s6+s3], $0x80, v3, vm0, $0xb8;
	[tilespmem:$0x1E100] =	vst v63  }
0x13c: {  	v3 =	vld [tilespmem:$0x1E030];
	_ =	sdelay $0x4  }
0x13d: {  	v62 =	vshrl.u32 v3, $0x3  }
0x13e: {  	v4 =	vmul.u32 $0x30, v62  }
0x13f: {  	v3 =	vand.u32 $0x7, v3  }
0x140: {  	v3 =	vor.u32 v3, v4  }
0x141: {  	v4 =	vperm.xlane v3, v0;
	_ =	sdelay $0x1  }
0x142: {  	v4 =	vadd.s32 v1, v4;
	_ =	sdelay $0x3  }
0x143: {  	s4 =	simm.s32 $0x9000;
	v3 =	vperm.xlane v3, v2  }
0x144: {  	[tilespmem:s4], [sflag:$0x1] =	stream.indirect_vreg.gather [hbm4b:s2+s3], $0x80, v4, vm0, $0xb8;
	[tilespmem:$0x1E100] =	vst v63  }
0x145: {  	v3 =	vadd.s32 v1, v3;
	s4 =	simm.s32 $0x9800  }
0x146: {  	[tilespmem:s4], [sflag:$0x1] =	stream.indirect_vreg.gather [hbm4b:s5+s3], $0x80, v4, vm0, $0xb8;
	[tilespmem:$0x1E100] =	vst v63  }
0x147: {  	s4 =	simm.s32 $0xA000  }
0x148: {  	[tilespmem:s4], [sflag:$0x1] =	stream.indirect_vreg.gather [hbm4b:s6+s3], $0x80, v4, vm0, $0xb8;
	[tilespmem:$0x1E100] =	vst v63  }
0x149: {  	s4 =	simm.s32 $0xA800  }
0x14a: {  	[tilespmem:s4], [sflag:$0x1] =	stream.indirect_vreg.gather [hbm4b:s2+s3], $0x80, v3, vm0, $0xb8;
	[tilespmem:$0x1E100] =	vst v63  }
0x14b: {  	s4 =	simm.s32 $0xB000  }
0x14c: {  	[tilespmem:s4], [sflag:$0x1] =	stream.indirect_vreg.gather [hbm4b:s5+s3], $0x80, v3, vm0, $0xb8;
	[tilespmem:$0x1E100] =	vst v63  }
0x14d: {  	s4 =	simm.s32 $0xB800  }
0x14e: {  	[tilespmem:s4], [sflag:$0x1] =	stream.indirect_vreg.gather [hbm4b:s6+s3], $0x80, v3, vm0, $0xb8;
	[tilespmem:$0x1E100] =	vst v63  }
0x14f: {  	v3 =	vld [tilespmem:$0x1E040];
	_ =	sdelay $0x4  }
0x150: {  	v63 =	vshrl.u32 v3, $0x3  }
0x151: {  	v4 =	vmul.u32 $0x30, v63  }
0x152: {  	v3 =	vand.u32 $0x7, v3  }
0x153: {  	v3 =	vor.u32 v3, v4  }
0x154: {  	v4 =	vperm.xlane v3, v0;
	_ =	sdelay $0x1  }
0x155: {  	v4 =	vadd.s32 v1, v4;
	_ =	sdelay $0x3  }
0x156: {  	s4 =	simm.s32 $0xC000;
	v3 =	vperm.xlane v3, v2  }
0x157: {  	[tilespmem:s4], [sflag:$0x1] =	stream.indirect_vreg.gather [hbm4b:s2+s3], $0x80, v4, vm0, $0xb8;
	[tilespmem:$0x1E100] =	vst v63  }
0x158: {  	v3 =	vadd.s32 v1, v3;
	s4 =	simm.s32 $0xC800  }
0x159: {  	[tilespmem:s4], [sflag:$0x1] =	stream.indirect_vreg.gather [hbm4b:s5+s3], $0x80, v4, vm0, $0xb8;
	[tilespmem:$0x1E100] =	vst v63  }
0x15a: {  	s4 =	simm.s32 $0xD000  }
0x15b: {  	[tilespmem:s4], [sflag:$0x1] =	stream.indirect_vreg.gather [hbm4b:s6+s3], $0x80, v4, vm0, $0xb8;
	[tilespmem:$0x1E100] =	vst v63  }
0x15c: {  	s4 =	simm.s32 $0xD800  }
0x15d: {  	[tilespmem:s4], [sflag:$0x1] =	stream.indirect_vreg.gather [hbm4b:s2+s3], $0x80, v3, vm0, $0xb8;
	[tilespmem:$0x1E100] =	vst v63  }
.Ltmp5:
0x15e: {  	_ = 	snop;
	(pc) =	sbr.rel .LBB2_4-.Ltmp5, $4  }
0x15f: {  	s4 =	simm.s32 $0xE000  }
0x160: {  	[tilespmem:s4], [sflag:$0x1] =	stream.indirect_vreg.gather [hbm4b:s5+s3], $0x80, v3, vm0, $0xb8;
	[tilespmem:$0x1E100] =	vst v63  }
0x161: {  	s4 =	simm.s32 $0xE800  }
0x162: {  	[tilespmem:s4], [sflag:$0x1] =	stream.indirect_vreg.gather [hbm4b:s6+s3], $0x80, v3, vm0, $0xb8;
	[tilespmem:$0x1E100] =	vst v63  }
.LBB2_6:
0x163: {  	_ =	sfence.sel $0x180000  }
0x164: {  	[bflag:$0x0] =	sbarrier.arrive $0xFFFF  }
0x165: {  	_ =	strace $0x90000047  }
0x166: {  	s0 =	stileid.u32;
	[bflag:$0x2] =	sbarrier.arrive $0xFFFF  }
0x167: {  	p0 =	sne.s32 s0, $0x0;
	s0 =	rddreg [dreg:$0x3]  }
0x168: {  	s0 =	sadd.s32 @!p0 $0x100000, s0  }
0x169: {  	[sflag:s0] =	ssyncadd.tile.s32 @!p0 $0x1;
	_ =	shalt  }
.Lfunc_end2:
_tile_overlayer_lowered:
.L_overlay_start_2:
0x16a: {  	(tag) =	ssettag $0x2  }
0x16b: {  	s0 =	rddreg [dreg:$0x0];
	s2 =	stileid.u32  }
0x16c: {  	s1 =	rddreg [dreg:$0x1];
	p0 =	sne.s32 s2, $0x0  }
0x16d: {  	s3 =	rddreg [dreg:$0x2];
	[bflag:$0x3] =	sbarrier.arrive $0xFFFF;
	s2 =	simm.s32 @!p0 $0x1C05  }
0x16e: {  	[timem:s3], [sflag:s2] =	dma.local @!p0 [hbm:s0], s1  }
0x16f: {  	s0 =	simm.s32 @!p0 $0x5  }
0x170: {  	_ =	swait.ge @!p0 [sflag:s0], s1  }
0x171: {  	s1 =	ssub.s32 @!p0 $0x0, s1;
	[sflag:s0] =	ssyncset.done @!p0 $0x0  }
0x172: {  	[sflag:s0] =	ssyncadd.s32 @!p0 s1  }
0x173: {  	[bflag:$0x3] =	sbarrier.arrive $0xFFFF  }
0x174: {  	_ =	shalt  }

</sc_bundles>
